<compile_context>
chip_gen: v7x
topology: tpu7x:2x2x1
jax: 0.10.2.dev20260603
libtpu: 0.0.44.dev20260713+nightly
codegen_flags: <defaults>
</compile_context>

<pallas_src>
import functools

import jax
import jax.numpy as jnp
from jax import lax
from jax.experimental import pallas as pl
from jax.experimental.pallas import tpu as pltpu
from jax.experimental.pallas import tpu_sc as plsc

EMB = 64
MARGIN = 1.0
EPS2 = 1e-6
HB = 10000
GATHER_CHUNK = 128


def _sqrt_nz(x):
    return x * lax.rsqrt(jnp.maximum(x, 1e-37))


@functools.lru_cache(maxsize=None)
def _make_gather_kernel(batch, ent_rows, rel_rows):
    info = plsc.get_sparse_core_info()
    nw = info.num_cores * info.num_subcores
    bpw = batch // nw
    nchunk = bpw // GATHER_CHUNK
    mesh = plsc.VectorSubcoreMesh(
        core_axis_name="core", subcore_axis_name="subcore"
    )
    row = jax.ShapeDtypeStruct((batch, 2 * EMB), jnp.float32)

    @functools.partial(
        pl.kernel,
        out_type=[row] * 5,
        mesh=mesh,
        compiler_params=pltpu.CompilerParams(use_tc_tiling_on_sc=True),
        scratch_types=[
            pltpu.VMEM((nchunk, GATHER_CHUNK), jnp.int32),
            pltpu.VMEM((bpw, 2 * EMB), jnp.float32),
            pltpu.SemaphoreType.DMA,
        ],
    )
    def gather5(h_hbm, t_hbm, n_hbm, r_hbm, ent_hbm, rel_hbm, nrm_hbm,
                oh, ot, on, orel, onrm, idx_v, rows_v, sem):
        wid = lax.axis_index("subcore") * info.num_cores + lax.axis_index("core")
        base = wid * nchunk

        def one(idx_hbm, table, out):
            pltpu.sync_copy(idx_hbm.at[pl.ds(base, nchunk)], idx_v)
            for j in range(nchunk):
                pltpu.async_copy(
                    table.at[idx_v.at[j]],
                    rows_v.at[pl.ds(j * GATHER_CHUNK, GATHER_CHUNK)],
                    sem,
                )
            for j in range(nchunk):
                pltpu.make_async_copy(
                    table.at[idx_v.at[j]],
                    rows_v.at[pl.ds(j * GATHER_CHUNK, GATHER_CHUNK)],
                    sem,
                ).wait()
            pltpu.sync_copy(rows_v, out.at[pl.ds(wid * bpw, bpw)])

        one(h_hbm, ent_hbm, oh)
        one(t_hbm, ent_hbm, ot)
        one(n_hbm, ent_hbm, on)
        one(r_hbm, rel_hbm, orel)
        one(r_hbm, nrm_hbm, onrm)

    return gather5


def _scan_pack_body(e1_ref, e2_ref, sum_ref, pack_ref):
    i = pl.program_id(0)

    @pl.when(i == 0)
    def _init():
        sum_ref[...] = jnp.zeros_like(sum_ref)

    x1 = e1_ref[...]
    x2 = e2_ref[...]
    n1 = _sqrt_nz(jnp.sum(x1 * x1, axis=1))
    n2 = _sqrt_nz(jnp.sum(x2 * x2, axis=1))
    s = jnp.sum(jnp.maximum(n1 - 1.0, 0.0)) + jnp.sum(jnp.maximum(n2 - 1.0, 0.0))
    sum_ref[...] += s.reshape(1, 1)
    pack_ref[...] = jnp.concatenate([x1, x2], axis=1)


def _pick(x, p):
    return jnp.where(p > 0.5, x[:, EMB:], x[:, :EMB])


def _score_body(h_ref, t_ref, n_ref, r_ref, nm_ref, par_ref, rel_ref, nrm_ref,
                out_ref, *, batch):
    i = pl.program_id(0)

    @pl.when(i == 0)
    def _init():
        rw = rel_ref[...]
        nw = nrm_ref[...]
        dot = jnp.sum(rw * nw, axis=1)
        rl = _sqrt_nz(jnp.sum(rw * rw, axis=1))
        orth = jnp.mean(jnp.maximum(dot / rl - EPS2, 0.0))
        out_ref[...] = orth.reshape(1, 1)

    p = par_ref[...]
    h = _pick(h_ref[...], p[:, 0:1])
    t = _pick(t_ref[...], p[:, 1:2])
    nt = _pick(n_ref[...], p[:, 2:3])
    r = _pick(r_ref[...], p[:, 3:4])
    nm = _pick(nm_ref[...], p[:, 3:4])
    d = jnp.maximum(jnp.sum(nm * nm, axis=1, keepdims=True), 1e-24)
    a = jnp.sum(nm * h, axis=1, keepdims=True)
    b = jnp.sum(nm * t, axis=1, keepdims=True)
    c = jnp.sum(nm * nt, axis=1, keepdims=True)
    diff_pos = (h - t) + r - ((a - b) / d) * nm
    diff_neg = (h - nt) + r - ((a - c) / d) * nm
    score = _sqrt_nz(jnp.sum(diff_pos * diff_pos, axis=1))
    nscore = _sqrt_nz(jnp.sum(diff_neg * diff_neg, axis=1))
    margin_sum = jnp.sum(jnp.maximum(score - nscore + MARGIN, 0.0))
    out_ref[...] += (margin_sum / batch).reshape(1, 1)


def kernel(h, batch_r, t, neg_t_idx, entity_emb, relation_emb, norm_emb):
    batch = h.shape[0]
    num_ent = entity_emb.shape[0]
    num_rel = relation_emb.shape[0]
    half_ent = num_ent // 2
    half_rel = num_rel // 2

    nsteps = half_ent // HB
    ent_sum, ent_packed = pl.pallas_call(
        _scan_pack_body,
        grid=(nsteps,),
        in_specs=[
            pl.BlockSpec((HB, EMB), lambda i: (i, 0)),
            pl.BlockSpec((HB, EMB), lambda i: (i + nsteps, 0)),
        ],
        out_specs=[
            pl.BlockSpec((1, 1), lambda i: (0, 0)),
            pl.BlockSpec((HB, 2 * EMB), lambda i: (i, 0)),
        ],
        out_shape=[
            jax.ShapeDtypeStruct((1, 1), jnp.float32),
            jax.ShapeDtypeStruct((half_ent, 2 * EMB), jnp.float32),
        ],
    )(entity_emb, entity_emb)

    rel_packed = jnp.concatenate(
        [relation_emb[:half_rel], relation_emb[half_rel:]], axis=1)
    nrm_packed = jnp.concatenate(
        [norm_emb[:half_rel], norm_emb[half_rel:]], axis=1)

    def split(idx, half):
        row = jnp.where(idx < half, idx, idx - half).astype(jnp.int32)
        par = (idx >= half).astype(jnp.float32)
        return row, par

    h_row, h_par = split(h, half_ent)
    t_row, t_par = split(t, half_ent)
    n_row, n_par = split(neg_t_idx, half_ent)
    r_row, r_par = split(batch_r, half_rel)
    par = jnp.stack([h_par, t_par, n_par, r_par], axis=1)

    gather5 = _make_gather_kernel(batch, half_ent, half_rel)
    idx2 = lambda v: v.reshape(batch // GATHER_CHUNK, GATHER_CHUNK)
    h_e, t_e, neg_e, r_e, nm_e = gather5(
        idx2(h_row), idx2(t_row), idx2(n_row), idx2(r_row),
        ent_packed, rel_packed, nrm_packed,
    )

    sb = 2048
    bspec = pl.BlockSpec((sb, 2 * EMB), lambda i: (i, 0))
    full = lambda rows, cols: pl.BlockSpec((rows, cols), lambda i: (0, 0))
    mo = pl.pallas_call(
        functools.partial(_score_body, batch=batch),
        grid=(batch // sb,),
        in_specs=[bspec] * 5
        + [pl.BlockSpec((sb, 4), lambda i: (i, 0))]
        + [full(num_rel, EMB), full(num_rel, EMB)],
        out_specs=pl.BlockSpec((1, 1), lambda i: (0, 0)),
        out_shape=jax.ShapeDtypeStruct((1, 1), jnp.float32),
    )(h_e, t_e, neg_e, r_e, nm_e, par, relation_emb, norm_emb)

    return mo[0, 0] + ent_sum[0, 0] / num_ent

# --- scband reference (transcript-rebuilt; emitter-appended) ---
"""Pipeline reference for scband-trans-h-13194139533621 (READ-ONLY COPY).

The authoritative reference and input builder live on the scoring server;
editing this copy changes nothing except your own understanding.
"""

import jax, jax.numpy as jnp
import numpy as np

NUM_ENT = 1000000
NUM_REL = 1000
EMB = 64
B = 16384
MARGIN = 1.0
C_REG = 1.0
EPS = 0.001


def _xavier(key, shape):
    std = (2.0 / (shape[0] + shape[1])) ** 0.5
    return jax.random.normal(key, shape, dtype=jnp.float32) * std


def setup_inputs(seed: int = 0):
    key = jax.random.key(seed)
    ks = jax.random.split(key, 7)
    h = jax.random.randint(ks[0], (B,), 0, NUM_ENT)
    batch_r = jax.random.randint(ks[1], (B,), 0, NUM_REL)
    t = jax.random.randint(ks[2], (B,), 0, NUM_ENT)
    neg_t_idx = jax.random.randint(ks[3], (B,), 1, NUM_ENT)
    entity_emb = _xavier(ks[4], (NUM_ENT, EMB))
    relation_emb = _xavier(ks[5], (NUM_REL, EMB))
    norm_emb = _xavier(ks[6], (NUM_REL, EMB))
    return {"h": h, "batch_r": batch_r, "t": t, "neg_t_idx": neg_t_idx,
            "entity_emb": entity_emb, "relation_emb": relation_emb, "norm_emb": norm_emb}


def _l2norm(x, axis=-1, keepdims=False):
    return jnp.sqrt(jnp.sum(x * x, axis=axis, keepdims=keepdims))


def _transfer(vector, norm):
    n = norm / jnp.maximum(_l2norm(norm, -1, True), 1e-12)
    return vector - jnp.sum(n * vector, axis=-1, keepdims=True) * n


def reference(h, batch_r, t, neg_t_idx, entity_emb, relation_emb, norm_emb):
    h_e = jnp.take(entity_emb, h.reshape(-1, 1), axis=0)
    t_e = jnp.take(entity_emb, t.reshape(-1, 1), axis=0)
    r = jnp.take(relation_emb, batch_r.reshape(-1, 1), axis=0)
    r_norm = jnp.take(norm_emb, batch_r.reshape(-1, 1), axis=0)
    h_v = _transfer(h_e, r_norm)
    t_v = _transfer(t_e, r_norm)
    neg_t = jnp.take(entity_emb, neg_t_idx.reshape(-1, 1), axis=0)
    neg_t_v = _transfer(neg_t, r_norm)
    score = _l2norm(h_v + r - t_v, -1).reshape(-1)
    neg_score = _l2norm(h_v + r - neg_t_v, -1).reshape(-1)
    margin_loss = jnp.mean(jax.nn.relu(score - neg_score + MARGIN))
    ew = jax.lax.stop_gradient(entity_emb)
    entity_loss = jnp.mean(jax.nn.relu(_l2norm(ew, -1) - 1.0))
    rw = jax.lax.stop_gradient(relation_emb)
    nw = jax.lax.stop_gradient(norm_emb)
    orth_loss = jnp.mean(jax.nn.relu(jnp.sum(rw * nw, axis=-1) / _l2norm(rw, -1) - EPS ** 2))
    return margin_loss + C_REG * (entity_loss + orth_loss)

if __name__ == "__main__":
    import jax
    _d = setup_inputs()
    print(jax.jit(kernel)(*tuple(_d.values())))

</pallas_src>

<mosaic_0001>
#map = affine_map<(d0, d1) -> (0, 0)>
module attributes {stable_mosaic.version = 14 : i64} {
  func.func @gather5(%arg0: i32, %arg1: i32, %arg2: memref<128x128xi32, #tpu.memory_space<hbm>>, %arg3: memref<128x128xi32, #tpu.memory_space<hbm>>, %arg4: memref<128x128xi32, #tpu.memory_space<hbm>>, %arg5: memref<128x128xi32, #tpu.memory_space<hbm>>, %arg6: memref<500000x128xf32, #tpu.memory_space<hbm>>, %arg7: memref<500x128xf32, #tpu.memory_space<hbm>>, %arg8: memref<500x128xf32, #tpu.memory_space<hbm>>, %arg9: memref<16384x128xf32, #tpu.memory_space<hbm>>, %arg10: memref<16384x128xf32, #tpu.memory_space<hbm>>, %arg11: memref<16384x128xf32, #tpu.memory_space<hbm>>, %arg12: memref<16384x128xf32, #tpu.memory_space<hbm>>, %arg13: memref<16384x128xf32, #tpu.memory_space<hbm>>, %arg14: memref<4x128xi32, #tpu.memory_space<vmem>>, %arg15: memref<512x128xf32, #tpu.memory_space<vmem>>, %arg16: memref<!tpu.dma_semaphore, #tpu.memory_space<semaphore_mem>>) attributes {dimension_semantics = [#tpu.dimension_semantics<core_parallel>, #tpu.dimension_semantics<subcore_parallel>], iteration_bounds = array<i64: 2, 16>, scalar_prefetch = 0 : i64, scratch_operands = 3 : i64, tpu.core_type = #tpu.core_type<sc_vector_subcore>, window_params = [{transform_indices = #map}, {transform_indices = #map}, {transform_indices = #map}, {transform_indices = #map}, {transform_indices = #map}, {transform_indices = #map}, {transform_indices = #map}, {transform_indices = #map}, {transform_indices = #map}, {transform_indices = #map}, {transform_indices = #map}, {transform_indices = #map}]} {
    %mul3A = arith.constant 2 : i32
    %mul3A_0 = arith.muli %arg1, %mul3A : i32
    %add3A = arith.addi %mul3A_0, %arg0 : i32
    %mul3A_1 = arith.constant 4 : i32
    %mul3A_2 = arith.muli %add3A, %mul3A_1 : i32
    "tpu.region"() ({
      %run_scoped3A = tpu.sem_alloc : memref<!tpu.dma_semaphore, #tpu.memory_space<semaphore_mem>>
      %dma_start3A_411 = arith.constant 0 : i32
      %dma_start3A_412 = tpu.memref_slice %arg2[%mul3A_2, %dma_start3A_411] : memref<128x128xi32, #tpu.memory_space<hbm>> -> memref<4x128xi32, #tpu.memory_space<hbm>>
      %dma_start3A_413 = arith.constant 0 : i32
      %dma_start3A_414 = tpu.memref_slice %arg2[%mul3A_2, %dma_start3A_413] : memref<128x128xi32, #tpu.memory_space<hbm>> -> memref<4x128xi32, #tpu.memory_space<hbm>>
      tpu.enqueue_dma source(%dma_start3A_414 : memref<4x128xi32, #tpu.memory_space<hbm>>) target(%arg14 : memref<4x128xi32, #tpu.memory_space<vmem>>) target_semaphore(%run_scoped3A : memref<!tpu.dma_semaphore, #tpu.memory_space<semaphore_mem>>)
      %dma_wait3A_415 = arith.constant 0 : i32
      %dma_wait3A_416 = tpu.memref_slice %arg2[%mul3A_2, %dma_wait3A_415] : memref<128x128xi32, #tpu.memory_space<hbm>> -> memref<4x128xi32, #tpu.memory_space<hbm>>
      %dma_wait3A_417 = arith.constant 0 : i32
      %dma_wait3A_418 = tpu.memref_slice %arg2[%mul3A_2, %dma_wait3A_417] : memref<128x128xi32, #tpu.memory_space<hbm>> -> memref<4x128xi32, #tpu.memory_space<hbm>>
      tpu.wait_dma2 semaphore(%run_scoped3A : memref<!tpu.dma_semaphore, #tpu.memory_space<semaphore_mem>>) src(%dma_wait3A_418 : memref<4x128xi32, #tpu.memory_space<hbm>>) dst(%arg14 : memref<4x128xi32, #tpu.memory_space<vmem>>)
      tpu.yield
    }) : () -> ()
    %dma_start3A = arith.constant 0 : i32
    %dma_start3A_3 = arith.constant 0 : i32
    %dma_start3A_4 = arith.constant 0 : i32
    %dma_start3A_5 = tpu.memref_slice %arg15[%dma_start3A_3, %dma_start3A_4] : memref<512x128xf32, #tpu.memory_space<vmem>> -> memref<128x128xf32, #tpu.memory_space<vmem>>
    %dma_start3A_6 = arith.constant 0 : i32
    %dma_start3A_7 = tpu.memref_slice %arg14[%dma_start3A, %dma_start3A_6] : memref<4x128xi32, #tpu.memory_space<vmem>> -> memref<1x128xi32, #tpu.memory_space<vmem>>
    %dma_start3A_8 = tpu.memref_squeeze %dma_start3A_7 : memref<1x128xi32, #tpu.memory_space<vmem>> -> memref<128xi32, #tpu.memory_space<vmem>>
    %dma_start3A_9 = arith.constant 0 : i32
    %dma_start3A_10 = arith.constant 0 : i32
    %dma_start3A_11 = tpu.memref_slice %arg6[%dma_start3A_9, %dma_start3A_10] : memref<500000x128xf32, #tpu.memory_space<hbm>> -> memref<500000x128xf32, #tpu.memory_space<hbm>>
    tpu.enqueue_indirect_dma source(%dma_start3A_11 : memref<500000x128xf32, #tpu.memory_space<hbm>>) target(%dma_start3A_5 : memref<128x128xf32, #tpu.memory_space<vmem>>) offsets(%dma_start3A_8 : memref<128xi32, #tpu.memory_space<vmem>>) semaphore(%arg16 : memref<!tpu.dma_semaphore, #tpu.memory_space<semaphore_mem>>)
    %dma_start3A_12 = arith.constant 1 : i32
    %dma_start3A_13 = arith.constant 128 : i32
    %dma_start3A_14 = arith.constant 0 : i32
    %dma_start3A_15 = tpu.memref_slice %arg15[%dma_start3A_13, %dma_start3A_14] : memref<512x128xf32, #tpu.memory_space<vmem>> -> memref<128x128xf32, #tpu.memory_space<vmem>>
    %dma_start3A_16 = arith.constant 0 : i32
    %dma_start3A_17 = tpu.memref_slice %arg14[%dma_start3A_12, %dma_start3A_16] : memref<4x128xi32, #tpu.memory_space<vmem>> -> memref<1x128xi32, #tpu.memory_space<vmem>>
    %dma_start3A_18 = tpu.memref_squeeze %dma_start3A_17 : memref<1x128xi32, #tpu.memory_space<vmem>> -> memref<128xi32, #tpu.memory_space<vmem>>
    %dma_start3A_19 = arith.constant 0 : i32
    %dma_start3A_20 = arith.constant 0 : i32
    %dma_start3A_21 = tpu.memref_slice %arg6[%dma_start3A_19, %dma_start3A_20] : memref<500000x128xf32, #tpu.memory_space<hbm>> -> memref<500000x128xf32, #tpu.memory_space<hbm>>
    tpu.enqueue_indirect_dma source(%dma_start3A_21 : memref<500000x128xf32, #tpu.memory_space<hbm>>) target(%dma_start3A_15 : memref<128x128xf32, #tpu.memory_space<vmem>>) offsets(%dma_start3A_18 : memref<128xi32, #tpu.memory_space<vmem>>) semaphore(%arg16 : memref<!tpu.dma_semaphore, #tpu.memory_space<semaphore_mem>>)
    %dma_start3A_22 = arith.constant 2 : i32
    %dma_start3A_23 = arith.constant 256 : i32
    %dma_start3A_24 = arith.constant 0 : i32
    %dma_start3A_25 = tpu.memref_slice %arg15[%dma_start3A_23, %dma_start3A_24] : memref<512x128xf32, #tpu.memory_space<vmem>> -> memref<128x128xf32, #tpu.memory_space<vmem>>
    %dma_start3A_26 = arith.constant 0 : i32
    %dma_start3A_27 = tpu.memref_slice %arg14[%dma_start3A_22, %dma_start3A_26] : memref<4x128xi32, #tpu.memory_space<vmem>> -> memref<1x128xi32, #tpu.memory_space<vmem>>
    %dma_start3A_28 = tpu.memref_squeeze %dma_start3A_27 : memref<1x128xi32, #tpu.memory_space<vmem>> -> memref<128xi32, #tpu.memory_space<vmem>>
    %dma_start3A_29 = arith.constant 0 : i32
    %dma_start3A_30 = arith.constant 0 : i32
    %dma_start3A_31 = tpu.memref_slice %arg6[%dma_start3A_29, %dma_start3A_30] : memref<500000x128xf32, #tpu.memory_space<hbm>> -> memref<500000x128xf32, #tpu.memory_space<hbm>>
    tpu.enqueue_indirect_dma source(%dma_start3A_31 : memref<500000x128xf32, #tpu.memory_space<hbm>>) target(%dma_start3A_25 : memref<128x128xf32, #tpu.memory_space<vmem>>) offsets(%dma_start3A_28 : memref<128xi32, #tpu.memory_space<vmem>>) semaphore(%arg16 : memref<!tpu.dma_semaphore, #tpu.memory_space<semaphore_mem>>)
    %dma_start3A_32 = arith.constant 3 : i32
    %dma_start3A_33 = arith.constant 384 : i32
    %dma_start3A_34 = arith.constant 0 : i32
    %dma_start3A_35 = tpu.memref_slice %arg15[%dma_start3A_33, %dma_start3A_34] : memref<512x128xf32, #tpu.memory_space<vmem>> -> memref<128x128xf32, #tpu.memory_space<vmem>>
    %dma_start3A_36 = arith.constant 0 : i32
    %dma_start3A_37 = tpu.memref_slice %arg14[%dma_start3A_32, %dma_start3A_36] : memref<4x128xi32, #tpu.memory_space<vmem>> -> memref<1x128xi32, #tpu.memory_space<vmem>>
    %dma_start3A_38 = tpu.memref_squeeze %dma_start3A_37 : memref<1x128xi32, #tpu.memory_space<vmem>> -> memref<128xi32, #tpu.memory_space<vmem>>
    %dma_start3A_39 = arith.constant 0 : i32
    %dma_start3A_40 = arith.constant 0 : i32
    %dma_start3A_41 = tpu.memref_slice %arg6[%dma_start3A_39, %dma_start3A_40] : memref<500000x128xf32, #tpu.memory_space<hbm>> -> memref<500000x128xf32, #tpu.memory_space<hbm>>
    tpu.enqueue_indirect_dma source(%dma_start3A_41 : memref<500000x128xf32, #tpu.memory_space<hbm>>) target(%dma_start3A_35 : memref<128x128xf32, #tpu.memory_space<vmem>>) offsets(%dma_start3A_38 : memref<128xi32, #tpu.memory_space<vmem>>) semaphore(%arg16 : memref<!tpu.dma_semaphore, #tpu.memory_space<semaphore_mem>>)
    %dma_wait3A = arith.constant 0 : i32
    %dma_wait3A_42 = arith.constant 0 : i32
    %dma_wait3A_43 = arith.constant 0 : i32
    %dma_wait3A_44 = tpu.memref_slice %arg15[%dma_wait3A_42, %dma_wait3A_43] : memref<512x128xf32, #tpu.memory_space<vmem>> -> memref<128x128xf32, #tpu.memory_space<vmem>>
    %dma_wait3A_45 = arith.constant 0 : i32
    %dma_wait3A_46 = tpu.memref_slice %arg14[%dma_wait3A, %dma_wait3A_45] : memref<4x128xi32, #tpu.memory_space<vmem>> -> memref<1x128xi32, #tpu.memory_space<vmem>>
    %dma_wait3A_47 = tpu.memref_squeeze %dma_wait3A_46 : memref<1x128xi32, #tpu.memory_space<vmem>> -> memref<128xi32, #tpu.memory_space<vmem>>
    %dma_wait3A_48 = arith.constant 0 : i32
    %dma_wait3A_49 = arith.constant 0 : i32
    %dma_wait3A_50 = tpu.memref_slice %arg6[%dma_wait3A_48, %dma_wait3A_49] : memref<500000x128xf32, #tpu.memory_space<hbm>> -> memref<500000x128xf32, #tpu.memory_space<hbm>>
    tpu.wait_indirect_dma semaphore(%arg16 : memref<!tpu.dma_semaphore, #tpu.memory_space<semaphore_mem>>) src(%dma_wait3A_50 : memref<500000x128xf32, #tpu.memory_space<hbm>>) dst(%dma_wait3A_44 : memref<128x128xf32, #tpu.memory_space<vmem>>)
    %dma_wait3A_51 = arith.constant 1 : i32
    %dma_wait3A_52 = arith.constant 128 : i32
    %dma_wait3A_53 = arith.constant 0 : i32
    %dma_wait3A_54 = tpu.memref_slice %arg15[%dma_wait3A_52, %dma_wait3A_53] : memref<512x128xf32, #tpu.memory_space<vmem>> -> memref<128x128xf32, #tpu.memory_space<vmem>>
    %dma_wait3A_55 = arith.constant 0 : i32
    %dma_wait3A_56 = tpu.memref_slice %arg14[%dma_wait3A_51, %dma_wait3A_55] : memref<4x128xi32, #tpu.memory_space<vmem>> -> memref<1x128xi32, #tpu.memory_space<vmem>>
    %dma_wait3A_57 = tpu.memref_squeeze %dma_wait3A_56 : memref<1x128xi32, #tpu.memory_space<vmem>> -> memref<128xi32, #tpu.memory_space<vmem>>
    %dma_wait3A_58 = arith.constant 0 : i32
    %dma_wait3A_59 = arith.constant 0 : i32
    %dma_wait3A_60 = tpu.memref_slice %arg6[%dma_wait3A_58, %dma_wait3A_59] : memref<500000x128xf32, #tpu.memory_space<hbm>> -> memref<500000x128xf32, #tpu.memory_space<hbm>>
    tpu.wait_indirect_dma semaphore(%arg16 : memref<!tpu.dma_semaphore, #tpu.memory_space<semaphore_mem>>) src(%dma_wait3A_60 : memref<500000x128xf32, #tpu.memory_space<hbm>>) dst(%dma_wait3A_54 : memref<128x128xf32, #tpu.memory_space<vmem>>)
    %dma_wait3A_61 = arith.constant 2 : i32
    %dma_wait3A_62 = arith.constant 256 : i32
    %dma_wait3A_63 = arith.constant 0 : i32
    %dma_wait3A_64 = tpu.memref_slice %arg15[%dma_wait3A_62, %dma_wait3A_63] : memref<512x128xf32, #tpu.memory_space<vmem>> -> memref<128x128xf32, #tpu.memory_space<vmem>>
    %dma_wait3A_65 = arith.constant 0 : i32
    %dma_wait3A_66 = tpu.memref_slice %arg14[%dma_wait3A_61, %dma_wait3A_65] : memref<4x128xi32, #tpu.memory_space<vmem>> -> memref<1x128xi32, #tpu.memory_space<vmem>>
    %dma_wait3A_67 = tpu.memref_squeeze %dma_wait3A_66 : memref<1x128xi32, #tpu.memory_space<vmem>> -> memref<128xi32, #tpu.memory_space<vmem>>
    %dma_wait3A_68 = arith.constant 0 : i32
    %dma_wait3A_69 = arith.constant 0 : i32
    %dma_wait3A_70 = tpu.memref_slice %arg6[%dma_wait3A_68, %dma_wait3A_69] : memref<500000x128xf32, #tpu.memory_space<hbm>> -> memref<500000x128xf32, #tpu.memory_space<hbm>>
    tpu.wait_indirect_dma semaphore(%arg16 : memref<!tpu.dma_semaphore, #tpu.memory_space<semaphore_mem>>) src(%dma_wait3A_70 : memref<500000x128xf32, #tpu.memory_space<hbm>>) dst(%dma_wait3A_64 : memref<128x128xf32, #tpu.memory_space<vmem>>)
    %dma_wait3A_71 = arith.constant 3 : i32
    %dma_wait3A_72 = arith.constant 384 : i32
    %dma_wait3A_73 = arith.constant 0 : i32
    %dma_wait3A_74 = tpu.memref_slice %arg15[%dma_wait3A_72, %dma_wait3A_73] : memref<512x128xf32, #tpu.memory_space<vmem>> -> memref<128x128xf32, #tpu.memory_space<vmem>>
    %dma_wait3A_75 = arith.constant 0 : i32
    %dma_wait3A_76 = tpu.memref_slice %arg14[%dma_wait3A_71, %dma_wait3A_75] : memref<4x128xi32, #tpu.memory_space<vmem>> -> memref<1x128xi32, #tpu.memory_space<vmem>>
    %dma_wait3A_77 = tpu.memref_squeeze %dma_wait3A_76 : memref<1x128xi32, #tpu.memory_space<vmem>> -> memref<128xi32, #tpu.memory_space<vmem>>
    %dma_wait3A_78 = arith.constant 0 : i32
    %dma_wait3A_79 = arith.constant 0 : i32
    %dma_wait3A_80 = tpu.memref_slice %arg6[%dma_wait3A_78, %dma_wait3A_79] : memref<500000x128xf32, #tpu.memory_space<hbm>> -> memref<500000x128xf32, #tpu.memory_space<hbm>>
    tpu.wait_indirect_dma semaphore(%arg16 : memref<!tpu.dma_semaphore, #tpu.memory_space<semaphore_mem>>) src(%dma_wait3A_80 : memref<500000x128xf32, #tpu.memory_space<hbm>>) dst(%dma_wait3A_74 : memref<128x128xf32, #tpu.memory_space<vmem>>)
    %mul3A_81 = arith.constant 512 : i32
    %mul3A_82 = arith.muli %add3A, %mul3A_81 : i32
    "tpu.region"() ({
      %run_scoped3A = tpu.sem_alloc : memref<!tpu.dma_semaphore, #tpu.memory_space<semaphore_mem>>
      %dma_start3A_411 = arith.constant 0 : i32
      %dma_start3A_412 = tpu.memref_slice %arg9[%mul3A_82, %dma_start3A_411] : memref<16384x128xf32, #tpu.memory_space<hbm>> -> memref<512x128xf32, #tpu.memory_space<hbm>>
      %dma_start3A_413 = arith.constant 0 : i32
      %dma_start3A_414 = tpu.memref_slice %arg9[%mul3A_82, %dma_start3A_413] : memref<16384x128xf32, #tpu.memory_space<hbm>> -> memref<512x128xf32, #tpu.memory_space<hbm>>
      tpu.enqueue_dma source(%arg15 : memref<512x128xf32, #tpu.memory_space<vmem>>) target(%dma_start3A_414 : memref<512x128xf32, #tpu.memory_space<hbm>>) target_semaphore(%run_scoped3A : memref<!tpu.dma_semaphore, #tpu.memory_space<semaphore_mem>>)
      %dma_wait3A_415 = arith.constant 0 : i32
      %dma_wait3A_416 = tpu.memref_slice %arg9[%mul3A_82, %dma_wait3A_415] : memref<16384x128xf32, #tpu.memory_space<hbm>> -> memref<512x128xf32, #tpu.memory_space<hbm>>
      %dma_wait3A_417 = arith.constant 0 : i32
      %dma_wait3A_418 = tpu.memref_slice %arg9[%mul3A_82, %dma_wait3A_417] : memref<16384x128xf32, #tpu.memory_space<hbm>> -> memref<512x128xf32, #tpu.memory_space<hbm>>
      tpu.wait_dma2 semaphore(%run_scoped3A : memref<!tpu.dma_semaphore, #tpu.memory_space<semaphore_mem>>) src(%arg15 : memref<512x128xf32, #tpu.memory_space<vmem>>) dst(%dma_wait3A_418 : memref<512x128xf32, #tpu.memory_space<hbm>>)
      tpu.yield
    }) : () -> ()
    "tpu.region"() ({
      %run_scoped3A = tpu.sem_alloc : memref<!tpu.dma_semaphore, #tpu.memory_space<semaphore_mem>>
      %dma_start3A_411 = arith.constant 0 : i32
      %dma_start3A_412 = tpu.memref_slice %arg3[%mul3A_2, %dma_start3A_411] : memref<128x128xi32, #tpu.memory_space<hbm>> -> memref<4x128xi32, #tpu.memory_space<hbm>>
      %dma_start3A_413 = arith.constant 0 : i32
      %dma_start3A_414 = tpu.memref_slice %arg3[%mul3A_2, %dma_start3A_413] : memref<128x128xi32, #tpu.memory_space<hbm>> -> memref<4x128xi32, #tpu.memory_space<hbm>>
      tpu.enqueue_dma source(%dma_start3A_414 : memref<4x128xi32, #tpu.memory_space<hbm>>) target(%arg14 : memref<4x128xi32, #tpu.memory_space<vmem>>) target_semaphore(%run_scoped3A : memref<!tpu.dma_semaphore, #tpu.memory_space<semaphore_mem>>)
      %dma_wait3A_415 = arith.constant 0 : i32
      %dma_wait3A_416 = tpu.memref_slice %arg3[%mul3A_2, %dma_wait3A_415] : memref<128x128xi32, #tpu.memory_space<hbm>> -> memref<4x128xi32, #tpu.memory_space<hbm>>
      %dma_wait3A_417 = arith.constant 0 : i32
      %dma_wait3A_418 = tpu.memref_slice %arg3[%mul3A_2, %dma_wait3A_417] : memref<128x128xi32, #tpu.memory_space<hbm>> -> memref<4x128xi32, #tpu.memory_space<hbm>>
      tpu.wait_dma2 semaphore(%run_scoped3A : memref<!tpu.dma_semaphore, #tpu.memory_space<semaphore_mem>>) src(%dma_wait3A_418 : memref<4x128xi32, #tpu.memory_space<hbm>>) dst(%arg14 : memref<4x128xi32, #tpu.memory_space<vmem>>)
      tpu.yield
    }) : () -> ()
    %dma_start3A_83 = arith.constant 0 : i32
    %dma_start3A_84 = arith.constant 0 : i32
    %dma_start3A_85 = arith.constant 0 : i32
    %dma_start3A_86 = tpu.memref_slice %arg15[%dma_start3A_84, %dma_start3A_85] : memref<512x128xf32, #tpu.memory_space<vmem>> -> memref<128x128xf32, #tpu.memory_space<vmem>>
    %dma_start3A_87 = arith.constant 0 : i32
    %dma_start3A_88 = tpu.memref_slice %arg14[%dma_start3A_83, %dma_start3A_87] : memref<4x128xi32, #tpu.memory_space<vmem>> -> memref<1x128xi32, #tpu.memory_space<vmem>>
    %dma_start3A_89 = tpu.memref_squeeze %dma_start3A_88 : memref<1x128xi32, #tpu.memory_space<vmem>> -> memref<128xi32, #tpu.memory_space<vmem>>
    %dma_start3A_90 = arith.constant 0 : i32
    %dma_start3A_91 = arith.constant 0 : i32
    %dma_start3A_92 = tpu.memref_slice %arg6[%dma_start3A_90, %dma_start3A_91] : memref<500000x128xf32, #tpu.memory_space<hbm>> -> memref<500000x128xf32, #tpu.memory_space<hbm>>
    tpu.enqueue_indirect_dma source(%dma_start3A_92 : memref<500000x128xf32, #tpu.memory_space<hbm>>) target(%dma_start3A_86 : memref<128x128xf32, #tpu.memory_space<vmem>>) offsets(%dma_start3A_89 : memref<128xi32, #tpu.memory_space<vmem>>) semaphore(%arg16 : memref<!tpu.dma_semaphore, #tpu.memory_space<semaphore_mem>>)
    %dma_start3A_93 = arith.constant 1 : i32
    %dma_start3A_94 = arith.constant 128 : i32
    %dma_start3A_95 = arith.constant 0 : i32
    %dma_start3A_96 = tpu.memref_slice %arg15[%dma_start3A_94, %dma_start3A_95] : memref<512x128xf32, #tpu.memory_space<vmem>> -> memref<128x128xf32, #tpu.memory_space<vmem>>
    %dma_start3A_97 = arith.constant 0 : i32
    %dma_start3A_98 = tpu.memref_slice %arg14[%dma_start3A_93, %dma_start3A_97] : memref<4x128xi32, #tpu.memory_space<vmem>> -> memref<1x128xi32, #tpu.memory_space<vmem>>
    %dma_start3A_99 = tpu.memref_squeeze %dma_start3A_98 : memref<1x128xi32, #tpu.memory_space<vmem>> -> memref<128xi32, #tpu.memory_space<vmem>>
    %dma_start3A_100 = arith.constant 0 : i32
    %dma_start3A_101 = arith.constant 0 : i32
    %dma_start3A_102 = tpu.memref_slice %arg6[%dma_start3A_100, %dma_start3A_101] : memref<500000x128xf32, #tpu.memory_space<hbm>> -> memref<500000x128xf32, #tpu.memory_space<hbm>>
    tpu.enqueue_indirect_dma source(%dma_start3A_102 : memref<500000x128xf32, #tpu.memory_space<hbm>>) target(%dma_start3A_96 : memref<128x128xf32, #tpu.memory_space<vmem>>) offsets(%dma_start3A_99 : memref<128xi32, #tpu.memory_space<vmem>>) semaphore(%arg16 : memref<!tpu.dma_semaphore, #tpu.memory_space<semaphore_mem>>)
    %dma_start3A_103 = arith.constant 2 : i32
    %dma_start3A_104 = arith.constant 256 : i32
    %dma_start3A_105 = arith.constant 0 : i32
    %dma_start3A_106 = tpu.memref_slice %arg15[%dma_start3A_104, %dma_start3A_105] : memref<512x128xf32, #tpu.memory_space<vmem>> -> memref<128x128xf32, #tpu.memory_space<vmem>>
    %dma_start3A_107 = arith.constant 0 : i32
    %dma_start3A_108 = tpu.memref_slice %arg14[%dma_start3A_103, %dma_start3A_107] : memref<4x128xi32, #tpu.memory_space<vmem>> -> memref<1x128xi32, #tpu.memory_space<vmem>>
    %dma_start3A_109 = tpu.memref_squeeze %dma_start3A_108 : memref<1x128xi32, #tpu.memory_space<vmem>> -> memref<128xi32, #tpu.memory_space<vmem>>
    %dma_start3A_110 = arith.constant 0 : i32
    %dma_start3A_111 = arith.constant 0 : i32
    %dma_start3A_112 = tpu.memref_slice %arg6[%dma_start3A_110, %dma_start3A_111] : memref<500000x128xf32, #tpu.memory_space<hbm>> -> memref<500000x128xf32, #tpu.memory_space<hbm>>
    tpu.enqueue_indirect_dma source(%dma_start3A_112 : memref<500000x128xf32, #tpu.memory_space<hbm>>) target(%dma_start3A_106 : memref<128x128xf32, #tpu.memory_space<vmem>>) offsets(%dma_start3A_109 : memref<128xi32, #tpu.memory_space<vmem>>) semaphore(%arg16 : memref<!tpu.dma_semaphore, #tpu.memory_space<semaphore_mem>>)
    %dma_start3A_113 = arith.constant 3 : i32
    %dma_start3A_114 = arith.constant 384 : i32
    %dma_start3A_115 = arith.constant 0 : i32
    %dma_start3A_116 = tpu.memref_slice %arg15[%dma_start3A_114, %dma_start3A_115] : memref<512x128xf32, #tpu.memory_space<vmem>> -> memref<128x128xf32, #tpu.memory_space<vmem>>
    %dma_start3A_117 = arith.constant 0 : i32
    %dma_start3A_118 = tpu.memref_slice %arg14[%dma_start3A_113, %dma_start3A_117] : memref<4x128xi32, #tpu.memory_space<vmem>> -> memref<1x128xi32, #tpu.memory_space<vmem>>
    %dma_start3A_119 = tpu.memref_squeeze %dma_start3A_118 : memref<1x128xi32, #tpu.memory_space<vmem>> -> memref<128xi32, #tpu.memory_space<vmem>>
    %dma_start3A_120 = arith.constant 0 : i32
    %dma_start3A_121 = arith.constant 0 : i32
    %dma_start3A_122 = tpu.memref_slice %arg6[%dma_start3A_120, %dma_start3A_121] : memref<500000x128xf32, #tpu.memory_space<hbm>> -> memref<500000x128xf32, #tpu.memory_space<hbm>>
    tpu.enqueue_indirect_dma source(%dma_start3A_122 : memref<500000x128xf32, #tpu.memory_space<hbm>>) target(%dma_start3A_116 : memref<128x128xf32, #tpu.memory_space<vmem>>) offsets(%dma_start3A_119 : memref<128xi32, #tpu.memory_space<vmem>>) semaphore(%arg16 : memref<!tpu.dma_semaphore, #tpu.memory_space<semaphore_mem>>)
    %dma_wait3A_123 = arith.constant 0 : i32
    %dma_wait3A_124 = arith.constant 0 : i32
    %dma_wait3A_125 = arith.constant 0 : i32
    %dma_wait3A_126 = tpu.memref_slice %arg15[%dma_wait3A_124, %dma_wait3A_125] : memref<512x128xf32, #tpu.memory_space<vmem>> -> memref<128x128xf32, #tpu.memory_space<vmem>>
    %dma_wait3A_127 = arith.constant 0 : i32
    %dma_wait3A_128 = tpu.memref_slice %arg14[%dma_wait3A_123, %dma_wait3A_127] : memref<4x128xi32, #tpu.memory_space<vmem>> -> memref<1x128xi32, #tpu.memory_space<vmem>>
    %dma_wait3A_129 = tpu.memref_squeeze %dma_wait3A_128 : memref<1x128xi32, #tpu.memory_space<vmem>> -> memref<128xi32, #tpu.memory_space<vmem>>
    %dma_wait3A_130 = arith.constant 0 : i32
    %dma_wait3A_131 = arith.constant 0 : i32
    %dma_wait3A_132 = tpu.memref_slice %arg6[%dma_wait3A_130, %dma_wait3A_131] : memref<500000x128xf32, #tpu.memory_space<hbm>> -> memref<500000x128xf32, #tpu.memory_space<hbm>>
    tpu.wait_indirect_dma semaphore(%arg16 : memref<!tpu.dma_semaphore, #tpu.memory_space<semaphore_mem>>) src(%dma_wait3A_132 : memref<500000x128xf32, #tpu.memory_space<hbm>>) dst(%dma_wait3A_126 : memref<128x128xf32, #tpu.memory_space<vmem>>)
    %dma_wait3A_133 = arith.constant 1 : i32
    %dma_wait3A_134 = arith.constant 128 : i32
    %dma_wait3A_135 = arith.constant 0 : i32
    %dma_wait3A_136 = tpu.memref_slice %arg15[%dma_wait3A_134, %dma_wait3A_135] : memref<512x128xf32, #tpu.memory_space<vmem>> -> memref<128x128xf32, #tpu.memory_space<vmem>>
    %dma_wait3A_137 = arith.constant 0 : i32
    %dma_wait3A_138 = tpu.memref_slice %arg14[%dma_wait3A_133, %dma_wait3A_137] : memref<4x128xi32, #tpu.memory_space<vmem>> -> memref<1x128xi32, #tpu.memory_space<vmem>>
    %dma_wait3A_139 = tpu.memref_squeeze %dma_wait3A_138 : memref<1x128xi32, #tpu.memory_space<vmem>> -> memref<128xi32, #tpu.memory_space<vmem>>
    %dma_wait3A_140 = arith.constant 0 : i32
    %dma_wait3A_141 = arith.constant 0 : i32
    %dma_wait3A_142 = tpu.memref_slice %arg6[%dma_wait3A_140, %dma_wait3A_141] : memref<500000x128xf32, #tpu.memory_space<hbm>> -> memref<500000x128xf32, #tpu.memory_space<hbm>>
    tpu.wait_indirect_dma semaphore(%arg16 : memref<!tpu.dma_semaphore, #tpu.memory_space<semaphore_mem>>) src(%dma_wait3A_142 : memref<500000x128xf32, #tpu.memory_space<hbm>>) dst(%dma_wait3A_136 : memref<128x128xf32, #tpu.memory_space<vmem>>)
    %dma_wait3A_143 = arith.constant 2 : i32
    %dma_wait3A_144 = arith.constant 256 : i32
    %dma_wait3A_145 = arith.constant 0 : i32
    %dma_wait3A_146 = tpu.memref_slice %arg15[%dma_wait3A_144, %dma_wait3A_145] : memref<512x128xf32, #tpu.memory_space<vmem>> -> memref<128x128xf32, #tpu.memory_space<vmem>>
    %dma_wait3A_147 = arith.constant 0 : i32
    %dma_wait3A_148 = tpu.memref_slice %arg14[%dma_wait3A_143, %dma_wait3A_147] : memref<4x128xi32, #tpu.memory_space<vmem>> -> memref<1x128xi32, #tpu.memory_space<vmem>>
    %dma_wait3A_149 = tpu.memref_squeeze %dma_wait3A_148 : memref<1x128xi32, #tpu.memory_space<vmem>> -> memref<128xi32, #tpu.memory_space<vmem>>
    %dma_wait3A_150 = arith.constant 0 : i32
    %dma_wait3A_151 = arith.constant 0 : i32
    %dma_wait3A_152 = tpu.memref_slice %arg6[%dma_wait3A_150, %dma_wait3A_151] : memref<500000x128xf32, #tpu.memory_space<hbm>> -> memref<500000x128xf32, #tpu.memory_space<hbm>>
    tpu.wait_indirect_dma semaphore(%arg16 : memref<!tpu.dma_semaphore, #tpu.memory_space<semaphore_mem>>) src(%dma_wait3A_152 : memref<500000x128xf32, #tpu.memory_space<hbm>>) dst(%dma_wait3A_146 : memref<128x128xf32, #tpu.memory_space<vmem>>)
    %dma_wait3A_153 = arith.constant 3 : i32
    %dma_wait3A_154 = arith.constant 384 : i32
    %dma_wait3A_155 = arith.constant 0 : i32
    %dma_wait3A_156 = tpu.memref_slice %arg15[%dma_wait3A_154, %dma_wait3A_155] : memref<512x128xf32, #tpu.memory_space<vmem>> -> memref<128x128xf32, #tpu.memory_space<vmem>>
    %dma_wait3A_157 = arith.constant 0 : i32
    %dma_wait3A_158 = tpu.memref_slice %arg14[%dma_wait3A_153, %dma_wait3A_157] : memref<4x128xi32, #tpu.memory_space<vmem>> -> memref<1x128xi32, #tpu.memory_space<vmem>>
    %dma_wait3A_159 = tpu.memref_squeeze %dma_wait3A_158 : memref<1x128xi32, #tpu.memory_space<vmem>> -> memref<128xi32, #tpu.memory_space<vmem>>
    %dma_wait3A_160 = arith.constant 0 : i32
    %dma_wait3A_161 = arith.constant 0 : i32
    %dma_wait3A_162 = tpu.memref_slice %arg6[%dma_wait3A_160, %dma_wait3A_161] : memref<500000x128xf32, #tpu.memory_space<hbm>> -> memref<500000x128xf32, #tpu.memory_space<hbm>>
    tpu.wait_indirect_dma semaphore(%arg16 : memref<!tpu.dma_semaphore, #tpu.memory_space<semaphore_mem>>) src(%dma_wait3A_162 : memref<500000x128xf32, #tpu.memory_space<hbm>>) dst(%dma_wait3A_156 : memref<128x128xf32, #tpu.memory_space<vmem>>)
    %mul3A_163 = arith.constant 512 : i32
    %mul3A_164 = arith.muli %add3A, %mul3A_163 : i32
    "tpu.region"() ({
      %run_scoped3A = tpu.sem_alloc : memref<!tpu.dma_semaphore, #tpu.memory_space<semaphore_mem>>
      %dma_start3A_411 = arith.constant 0 : i32
      %dma_start3A_412 = tpu.memref_slice %arg10[%mul3A_164, %dma_start3A_411] : memref<16384x128xf32, #tpu.memory_space<hbm>> -> memref<512x128xf32, #tpu.memory_space<hbm>>
      %dma_start3A_413 = arith.constant 0 : i32
      %dma_start3A_414 = tpu.memref_slice %arg10[%mul3A_164, %dma_start3A_413] : memref<16384x128xf32, #tpu.memory_space<hbm>> -> memref<512x128xf32, #tpu.memory_space<hbm>>
      tpu.enqueue_dma source(%arg15 : memref<512x128xf32, #tpu.memory_space<vmem>>) target(%dma_start3A_414 : memref<512x128xf32, #tpu.memory_space<hbm>>) target_semaphore(%run_scoped3A : memref<!tpu.dma_semaphore, #tpu.memory_space<semaphore_mem>>)
      %dma_wait3A_415 = arith.constant 0 : i32
      %dma_wait3A_416 = tpu.memref_slice %arg10[%mul3A_164, %dma_wait3A_415] : memref<16384x128xf32, #tpu.memory_space<hbm>> -> memref<512x128xf32, #tpu.memory_space<hbm>>
      %dma_wait3A_417 = arith.constant 0 : i32
      %dma_wait3A_418 = tpu.memref_slice %arg10[%mul3A_164, %dma_wait3A_417] : memref<16384x128xf32, #tpu.memory_space<hbm>> -> memref<512x128xf32, #tpu.memory_space<hbm>>
      tpu.wait_dma2 semaphore(%run_scoped3A : memref<!tpu.dma_semaphore, #tpu.memory_space<semaphore_mem>>) src(%arg15 : memref<512x128xf32, #tpu.memory_space<vmem>>) dst(%dma_wait3A_418 : memref<512x128xf32, #tpu.memory_space<hbm>>)
      tpu.yield
    }) : () -> ()
    "tpu.region"() ({
      %run_scoped3A = tpu.sem_alloc : memref<!tpu.dma_semaphore, #tpu.memory_space<semaphore_mem>>
      %dma_start3A_411 = arith.constant 0 : i32
      %dma_start3A_412 = tpu.memref_slice %arg4[%mul3A_2, %dma_start3A_411] : memref<128x128xi32, #tpu.memory_space<hbm>> -> memref<4x128xi32, #tpu.memory_space<hbm>>
      %dma_start3A_413 = arith.constant 0 : i32
      %dma_start3A_414 = tpu.memref_slice %arg4[%mul3A_2, %dma_start3A_413] : memref<128x128xi32, #tpu.memory_space<hbm>> -> memref<4x128xi32, #tpu.memory_space<hbm>>
      tpu.enqueue_dma source(%dma_start3A_414 : memref<4x128xi32, #tpu.memory_space<hbm>>) target(%arg14 : memref<4x128xi32, #tpu.memory_space<vmem>>) target_semaphore(%run_scoped3A : memref<!tpu.dma_semaphore, #tpu.memory_space<semaphore_mem>>)
      %dma_wait3A_415 = arith.constant 0 : i32
      %dma_wait3A_416 = tpu.memref_slice %arg4[%mul3A_2, %dma_wait3A_415] : memref<128x128xi32, #tpu.memory_space<hbm>> -> memref<4x128xi32, #tpu.memory_space<hbm>>
      %dma_wait3A_417 = arith.constant 0 : i32
      %dma_wait3A_418 = tpu.memref_slice %arg4[%mul3A_2, %dma_wait3A_417] : memref<128x128xi32, #tpu.memory_space<hbm>> -> memref<4x128xi32, #tpu.memory_space<hbm>>
      tpu.wait_dma2 semaphore(%run_scoped3A : memref<!tpu.dma_semaphore, #tpu.memory_space<semaphore_mem>>) src(%dma_wait3A_418 : memref<4x128xi32, #tpu.memory_space<hbm>>) dst(%arg14 : memref<4x128xi32, #tpu.memory_space<vmem>>)
      tpu.yield
    }) : () -> ()
    %dma_start3A_165 = arith.constant 0 : i32
    %dma_start3A_166 = arith.constant 0 : i32
    %dma_start3A_167 = arith.constant 0 : i32
    %dma_start3A_168 = tpu.memref_slice %arg15[%dma_start3A_166, %dma_start3A_167] : memref<512x128xf32, #tpu.memory_space<vmem>> -> memref<128x128xf32, #tpu.memory_space<vmem>>
    %dma_start3A_169 = arith.constant 0 : i32
    %dma_start3A_170 = tpu.memref_slice %arg14[%dma_start3A_165, %dma_start3A_169] : memref<4x128xi32, #tpu.memory_space<vmem>> -> memref<1x128xi32, #tpu.memory_space<vmem>>
    %dma_start3A_171 = tpu.memref_squeeze %dma_start3A_170 : memref<1x128xi32, #tpu.memory_space<vmem>> -> memref<128xi32, #tpu.memory_space<vmem>>
    %dma_start3A_172 = arith.constant 0 : i32
    %dma_start3A_173 = arith.constant 0 : i32
    %dma_start3A_174 = tpu.memref_slice %arg6[%dma_start3A_172, %dma_start3A_173] : memref<500000x128xf32, #tpu.memory_space<hbm>> -> memref<500000x128xf32, #tpu.memory_space<hbm>>
    tpu.enqueue_indirect_dma source(%dma_start3A_174 : memref<500000x128xf32, #tpu.memory_space<hbm>>) target(%dma_start3A_168 : memref<128x128xf32, #tpu.memory_space<vmem>>) offsets(%dma_start3A_171 : memref<128xi32, #tpu.memory_space<vmem>>) semaphore(%arg16 : memref<!tpu.dma_semaphore, #tpu.memory_space<semaphore_mem>>)
    %dma_start3A_175 = arith.constant 1 : i32
    %dma_start3A_176 = arith.constant 128 : i32
    %dma_start3A_177 = arith.constant 0 : i32
    %dma_start3A_178 = tpu.memref_slice %arg15[%dma_start3A_176, %dma_start3A_177] : memref<512x128xf32, #tpu.memory_space<vmem>> -> memref<128x128xf32, #tpu.memory_space<vmem>>
    %dma_start3A_179 = arith.constant 0 : i32
    %dma_start3A_180 = tpu.memref_slice %arg14[%dma_start3A_175, %dma_start3A_179] : memref<4x128xi32, #tpu.memory_space<vmem>> -> memref<1x128xi32, #tpu.memory_space<vmem>>
    %dma_start3A_181 = tpu.memref_squeeze %dma_start3A_180 : memref<1x128xi32, #tpu.memory_space<vmem>> -> memref<128xi32, #tpu.memory_space<vmem>>
    %dma_start3A_182 = arith.constant 0 : i32
    %dma_start3A_183 = arith.constant 0 : i32
    %dma_start3A_184 = tpu.memref_slice %arg6[%dma_start3A_182, %dma_start3A_183] : memref<500000x128xf32, #tpu.memory_space<hbm>> -> memref<500000x128xf32, #tpu.memory_space<hbm>>
    tpu.enqueue_indirect_dma source(%dma_start3A_184 : memref<500000x128xf32, #tpu.memory_space<hbm>>) target(%dma_start3A_178 : memref<128x128xf32, #tpu.memory_space<vmem>>) offsets(%dma_start3A_181 : memref<128xi32, #tpu.memory_space<vmem>>) semaphore(%arg16 : memref<!tpu.dma_semaphore, #tpu.memory_space<semaphore_mem>>)
    %dma_start3A_185 = arith.constant 2 : i32
    %dma_start3A_186 = arith.constant 256 : i32
    %dma_start3A_187 = arith.constant 0 : i32
    %dma_start3A_188 = tpu.memref_slice %arg15[%dma_start3A_186, %dma_start3A_187] : memref<512x128xf32, #tpu.memory_space<vmem>> -> memref<128x128xf32, #tpu.memory_space<vmem>>
    %dma_start3A_189 = arith.constant 0 : i32
    %dma_start3A_190 = tpu.memref_slice %arg14[%dma_start3A_185, %dma_start3A_189] : memref<4x128xi32, #tpu.memory_space<vmem>> -> memref<1x128xi32, #tpu.memory_space<vmem>>
    %dma_start3A_191 = tpu.memref_squeeze %dma_start3A_190 : memref<1x128xi32, #tpu.memory_space<vmem>> -> memref<128xi32, #tpu.memory_space<vmem>>
    %dma_start3A_192 = arith.constant 0 : i32
    %dma_start3A_193 = arith.constant 0 : i32
    %dma_start3A_194 = tpu.memref_slice %arg6[%dma_start3A_192, %dma_start3A_193] : memref<500000x128xf32, #tpu.memory_space<hbm>> -> memref<500000x128xf32, #tpu.memory_space<hbm>>
    tpu.enqueue_indirect_dma source(%dma_start3A_194 : memref<500000x128xf32, #tpu.memory_space<hbm>>) target(%dma_start3A_188 : memref<128x128xf32, #tpu.memory_space<vmem>>) offsets(%dma_start3A_191 : memref<128xi32, #tpu.memory_space<vmem>>) semaphore(%arg16 : memref<!tpu.dma_semaphore, #tpu.memory_space<semaphore_mem>>)
    %dma_start3A_195 = arith.constant 3 : i32
    %dma_start3A_196 = arith.constant 384 : i32
    %dma_start3A_197 = arith.constant 0 : i32
    %dma_start3A_198 = tpu.memref_slice %arg15[%dma_start3A_196, %dma_start3A_197] : memref<512x128xf32, #tpu.memory_space<vmem>> -> memref<128x128xf32, #tpu.memory_space<vmem>>
    %dma_start3A_199 = arith.constant 0 : i32
    %dma_start3A_200 = tpu.memref_slice %arg14[%dma_start3A_195, %dma_start3A_199] : memref<4x128xi32, #tpu.memory_space<vmem>> -> memref<1x128xi32, #tpu.memory_space<vmem>>
    %dma_start3A_201 = tpu.memref_squeeze %dma_start3A_200 : memref<1x128xi32, #tpu.memory_space<vmem>> -> memref<128xi32, #tpu.memory_space<vmem>>
    %dma_start3A_202 = arith.constant 0 : i32
    %dma_start3A_203 = arith.constant 0 : i32
    %dma_start3A_204 = tpu.memref_slice %arg6[%dma_start3A_202, %dma_start3A_203] : memref<500000x128xf32, #tpu.memory_space<hbm>> -> memref<500000x128xf32, #tpu.memory_space<hbm>>
    tpu.enqueue_indirect_dma source(%dma_start3A_204 : memref<500000x128xf32, #tpu.memory_space<hbm>>) target(%dma_start3A_198 : memref<128x128xf32, #tpu.memory_space<vmem>>) offsets(%dma_start3A_201 : memref<128xi32, #tpu.memory_space<vmem>>) semaphore(%arg16 : memref<!tpu.dma_semaphore, #tpu.memory_space<semaphore_mem>>)
    %dma_wait3A_205 = arith.constant 0 : i32
    %dma_wait3A_206 = arith.constant 0 : i32
    %dma_wait3A_207 = arith.constant 0 : i32
    %dma_wait3A_208 = tpu.memref_slice %arg15[%dma_wait3A_206, %dma_wait3A_207] : memref<512x128xf32, #tpu.memory_space<vmem>> -> memref<128x128xf32, #tpu.memory_space<vmem>>
    %dma_wait3A_209 = arith.constant 0 : i32
    %dma_wait3A_210 = tpu.memref_slice %arg14[%dma_wait3A_205, %dma_wait3A_209] : memref<4x128xi32, #tpu.memory_space<vmem>> -> memref<1x128xi32, #tpu.memory_space<vmem>>
    %dma_wait3A_211 = tpu.memref_squeeze %dma_wait3A_210 : memref<1x128xi32, #tpu.memory_space<vmem>> -> memref<128xi32, #tpu.memory_space<vmem>>
    %dma_wait3A_212 = arith.constant 0 : i32
    %dma_wait3A_213 = arith.constant 0 : i32
    %dma_wait3A_214 = tpu.memref_slice %arg6[%dma_wait3A_212, %dma_wait3A_213] : memref<500000x128xf32, #tpu.memory_space<hbm>> -> memref<500000x128xf32, #tpu.memory_space<hbm>>
    tpu.wait_indirect_dma semaphore(%arg16 : memref<!tpu.dma_semaphore, #tpu.memory_space<semaphore_mem>>) src(%dma_wait3A_214 : memref<500000x128xf32, #tpu.memory_space<hbm>>) dst(%dma_wait3A_208 : memref<128x128xf32, #tpu.memory_space<vmem>>)
    %dma_wait3A_215 = arith.constant 1 : i32
    %dma_wait3A_216 = arith.constant 128 : i32
    %dma_wait3A_217 = arith.constant 0 : i32
    %dma_wait3A_218 = tpu.memref_slice %arg15[%dma_wait3A_216, %dma_wait3A_217] : memref<512x128xf32, #tpu.memory_space<vmem>> -> memref<128x128xf32, #tpu.memory_space<vmem>>
    %dma_wait3A_219 = arith.constant 0 : i32
    %dma_wait3A_220 = tpu.memref_slice %arg14[%dma_wait3A_215, %dma_wait3A_219] : memref<4x128xi32, #tpu.memory_space<vmem>> -> memref<1x128xi32, #tpu.memory_space<vmem>>
    %dma_wait3A_221 = tpu.memref_squeeze %dma_wait3A_220 : memref<1x128xi32, #tpu.memory_space<vmem>> -> memref<128xi32, #tpu.memory_space<vmem>>
    %dma_wait3A_222 = arith.constant 0 : i32
    %dma_wait3A_223 = arith.constant 0 : i32
    %dma_wait3A_224 = tpu.memref_slice %arg6[%dma_wait3A_222, %dma_wait3A_223] : memref<500000x128xf32, #tpu.memory_space<hbm>> -> memref<500000x128xf32, #tpu.memory_space<hbm>>
    tpu.wait_indirect_dma semaphore(%arg16 : memref<!tpu.dma_semaphore, #tpu.memory_space<semaphore_mem>>) src(%dma_wait3A_224 : memref<500000x128xf32, #tpu.memory_space<hbm>>) dst(%dma_wait3A_218 : memref<128x128xf32, #tpu.memory_space<vmem>>)
    %dma_wait3A_225 = arith.constant 2 : i32
    %dma_wait3A_226 = arith.constant 256 : i32
    %dma_wait3A_227 = arith.constant 0 : i32
    %dma_wait3A_228 = tpu.memref_slice %arg15[%dma_wait3A_226, %dma_wait3A_227] : memref<512x128xf32, #tpu.memory_space<vmem>> -> memref<128x128xf32, #tpu.memory_space<vmem>>
    %dma_wait3A_229 = arith.constant 0 : i32
    %dma_wait3A_230 = tpu.memref_slice %arg14[%dma_wait3A_225, %dma_wait3A_229] : memref<4x128xi32, #tpu.memory_space<vmem>> -> memref<1x128xi32, #tpu.memory_space<vmem>>
    %dma_wait3A_231 = tpu.memref_squeeze %dma_wait3A_230 : memref<1x128xi32, #tpu.memory_space<vmem>> -> memref<128xi32, #tpu.memory_space<vmem>>
    %dma_wait3A_232 = arith.constant 0 : i32
    %dma_wait3A_233 = arith.constant 0 : i32
    %dma_wait3A_234 = tpu.memref_slice %arg6[%dma_wait3A_232, %dma_wait3A_233] : memref<500000x128xf32, #tpu.memory_space<hbm>> -> memref<500000x128xf32, #tpu.memory_space<hbm>>
    tpu.wait_indirect_dma semaphore(%arg16 : memref<!tpu.dma_semaphore, #tpu.memory_space<semaphore_mem>>) src(%dma_wait3A_234 : memref<500000x128xf32, #tpu.memory_space<hbm>>) dst(%dma_wait3A_228 : memref<128x128xf32, #tpu.memory_space<vmem>>)
    %dma_wait3A_235 = arith.constant 3 : i32
    %dma_wait3A_236 = arith.constant 384 : i32
    %dma_wait3A_237 = arith.constant 0 : i32
    %dma_wait3A_238 = tpu.memref_slice %arg15[%dma_wait3A_236, %dma_wait3A_237] : memref<512x128xf32, #tpu.memory_space<vmem>> -> memref<128x128xf32, #tpu.memory_space<vmem>>
    %dma_wait3A_239 = arith.constant 0 : i32
    %dma_wait3A_240 = tpu.memref_slice %arg14[%dma_wait3A_235, %dma_wait3A_239] : memref<4x128xi32, #tpu.memory_space<vmem>> -> memref<1x128xi32, #tpu.memory_space<vmem>>
    %dma_wait3A_241 = tpu.memref_squeeze %dma_wait3A_240 : memref<1x128xi32, #tpu.memory_space<vmem>> -> memref<128xi32, #tpu.memory_space<vmem>>
    %dma_wait3A_242 = arith.constant 0 : i32
    %dma_wait3A_243 = arith.constant 0 : i32
    %dma_wait3A_244 = tpu.memref_slice %arg6[%dma_wait3A_242, %dma_wait3A_243] : memref<500000x128xf32, #tpu.memory_space<hbm>> -> memref<500000x128xf32, #tpu.memory_space<hbm>>
    tpu.wait_indirect_dma semaphore(%arg16 : memref<!tpu.dma_semaphore, #tpu.memory_space<semaphore_mem>>) src(%dma_wait3A_244 : memref<500000x128xf32, #tpu.memory_space<hbm>>) dst(%dma_wait3A_238 : memref<128x128xf32, #tpu.memory_space<vmem>>)
    %mul3A_245 = arith.constant 512 : i32
    %mul3A_246 = arith.muli %add3A, %mul3A_245 : i32
    "tpu.region"() ({
      %run_scoped3A = tpu.sem_alloc : memref<!tpu.dma_semaphore, #tpu.memory_space<semaphore_mem>>
      %dma_start3A_411 = arith.constant 0 : i32
      %dma_start3A_412 = tpu.memref_slice %arg11[%mul3A_246, %dma_start3A_411] : memref<16384x128xf32, #tpu.memory_space<hbm>> -> memref<512x128xf32, #tpu.memory_space<hbm>>
      %dma_start3A_413 = arith.constant 0 : i32
      %dma_start3A_414 = tpu.memref_slice %arg11[%mul3A_246, %dma_start3A_413] : memref<16384x128xf32, #tpu.memory_space<hbm>> -> memref<512x128xf32, #tpu.memory_space<hbm>>
      tpu.enqueue_dma source(%arg15 : memref<512x128xf32, #tpu.memory_space<vmem>>) target(%dma_start3A_414 : memref<512x128xf32, #tpu.memory_space<hbm>>) target_semaphore(%run_scoped3A : memref<!tpu.dma_semaphore, #tpu.memory_space<semaphore_mem>>)
      %dma_wait3A_415 = arith.constant 0 : i32
      %dma_wait3A_416 = tpu.memref_slice %arg11[%mul3A_246, %dma_wait3A_415] : memref<16384x128xf32, #tpu.memory_space<hbm>> -> memref<512x128xf32, #tpu.memory_space<hbm>>
      %dma_wait3A_417 = arith.constant 0 : i32
      %dma_wait3A_418 = tpu.memref_slice %arg11[%mul3A_246, %dma_wait3A_417] : memref<16384x128xf32, #tpu.memory_space<hbm>> -> memref<512x128xf32, #tpu.memory_space<hbm>>
      tpu.wait_dma2 semaphore(%run_scoped3A : memref<!tpu.dma_semaphore, #tpu.memory_space<semaphore_mem>>) src(%arg15 : memref<512x128xf32, #tpu.memory_space<vmem>>) dst(%dma_wait3A_418 : memref<512x128xf32, #tpu.memory_space<hbm>>)
      tpu.yield
    }) : () -> ()
    "tpu.region"() ({
      %run_scoped3A = tpu.sem_alloc : memref<!tpu.dma_semaphore, #tpu.memory_space<semaphore_mem>>
      %dma_start3A_411 = arith.constant 0 : i32
      %dma_start3A_412 = tpu.memref_slice %arg5[%mul3A_2, %dma_start3A_411] : memref<128x128xi32, #tpu.memory_space<hbm>> -> memref<4x128xi32, #tpu.memory_space<hbm>>
      %dma_start3A_413 = arith.constant 0 : i32
      %dma_start3A_414 = tpu.memref_slice %arg5[%mul3A_2, %dma_start3A_413] : memref<128x128xi32, #tpu.memory_space<hbm>> -> memref<4x128xi32, #tpu.memory_space<hbm>>
      tpu.enqueue_dma source(%dma_start3A_414 : memref<4x128xi32, #tpu.memory_space<hbm>>) target(%arg14 : memref<4x128xi32, #tpu.memory_space<vmem>>) target_semaphore(%run_scoped3A : memref<!tpu.dma_semaphore, #tpu.memory_space<semaphore_mem>>)
      %dma_wait3A_415 = arith.constant 0 : i32
      %dma_wait3A_416 = tpu.memref_slice %arg5[%mul3A_2, %dma_wait3A_415] : memref<128x128xi32, #tpu.memory_space<hbm>> -> memref<4x128xi32, #tpu.memory_space<hbm>>
      %dma_wait3A_417 = arith.constant 0 : i32
      %dma_wait3A_418 = tpu.memref_slice %arg5[%mul3A_2, %dma_wait3A_417] : memref<128x128xi32, #tpu.memory_space<hbm>> -> memref<4x128xi32, #tpu.memory_space<hbm>>
      tpu.wait_dma2 semaphore(%run_scoped3A : memref<!tpu.dma_semaphore, #tpu.memory_space<semaphore_mem>>) src(%dma_wait3A_418 : memref<4x128xi32, #tpu.memory_space<hbm>>) dst(%arg14 : memref<4x128xi32, #tpu.memory_space<vmem>>)
      tpu.yield
    }) : () -> ()
    %dma_start3A_247 = arith.constant 0 : i32
    %dma_start3A_248 = arith.constant 0 : i32
    %dma_start3A_249 = arith.constant 0 : i32
    %dma_start3A_250 = tpu.memref_slice %arg15[%dma_start3A_248, %dma_start3A_249] : memref<512x128xf32, #tpu.memory_space<vmem>> -> memref<128x128xf32, #tpu.memory_space<vmem>>
    %dma_start3A_251 = arith.constant 0 : i32
    %dma_start3A_252 = tpu.memref_slice %arg14[%dma_start3A_247, %dma_start3A_251] : memref<4x128xi32, #tpu.memory_space<vmem>> -> memref<1x128xi32, #tpu.memory_space<vmem>>
    %dma_start3A_253 = tpu.memref_squeeze %dma_start3A_252 : memref<1x128xi32, #tpu.memory_space<vmem>> -> memref<128xi32, #tpu.memory_space<vmem>>
    %dma_start3A_254 = arith.constant 0 : i32
    %dma_start3A_255 = arith.constant 0 : i32
    %dma_start3A_256 = tpu.memref_slice %arg7[%dma_start3A_254, %dma_start3A_255] : memref<500x128xf32, #tpu.memory_space<hbm>> -> memref<500x128xf32, #tpu.memory_space<hbm>>
    tpu.enqueue_indirect_dma source(%dma_start3A_256 : memref<500x128xf32, #tpu.memory_space<hbm>>) target(%dma_start3A_250 : memref<128x128xf32, #tpu.memory_space<vmem>>) offsets(%dma_start3A_253 : memref<128xi32, #tpu.memory_space<vmem>>) semaphore(%arg16 : memref<!tpu.dma_semaphore, #tpu.memory_space<semaphore_mem>>)
    %dma_start3A_257 = arith.constant 1 : i32
    %dma_start3A_258 = arith.constant 128 : i32
    %dma_start3A_259 = arith.constant 0 : i32
    %dma_start3A_260 = tpu.memref_slice %arg15[%dma_start3A_258, %dma_start3A_259] : memref<512x128xf32, #tpu.memory_space<vmem>> -> memref<128x128xf32, #tpu.memory_space<vmem>>
    %dma_start3A_261 = arith.constant 0 : i32
    %dma_start3A_262 = tpu.memref_slice %arg14[%dma_start3A_257, %dma_start3A_261] : memref<4x128xi32, #tpu.memory_space<vmem>> -> memref<1x128xi32, #tpu.memory_space<vmem>>
    %dma_start3A_263 = tpu.memref_squeeze %dma_start3A_262 : memref<1x128xi32, #tpu.memory_space<vmem>> -> memref<128xi32, #tpu.memory_space<vmem>>
    %dma_start3A_264 = arith.constant 0 : i32
    %dma_start3A_265 = arith.constant 0 : i32
    %dma_start3A_266 = tpu.memref_slice %arg7[%dma_start3A_264, %dma_start3A_265] : memref<500x128xf32, #tpu.memory_space<hbm>> -> memref<500x128xf32, #tpu.memory_space<hbm>>
    tpu.enqueue_indirect_dma source(%dma_start3A_266 : memref<500x128xf32, #tpu.memory_space<hbm>>) target(%dma_start3A_260 : memref<128x128xf32, #tpu.memory_space<vmem>>) offsets(%dma_start3A_263 : memref<128xi32, #tpu.memory_space<vmem>>) semaphore(%arg16 : memref<!tpu.dma_semaphore, #tpu.memory_space<semaphore_mem>>)
    %dma_start3A_267 = arith.constant 2 : i32
    %dma_start3A_268 = arith.constant 256 : i32
    %dma_start3A_269 = arith.constant 0 : i32
    %dma_start3A_270 = tpu.memref_slice %arg15[%dma_start3A_268, %dma_start3A_269] : memref<512x128xf32, #tpu.memory_space<vmem>> -> memref<128x128xf32, #tpu.memory_space<vmem>>
    %dma_start3A_271 = arith.constant 0 : i32
    %dma_start3A_272 = tpu.memref_slice %arg14[%dma_start3A_267, %dma_start3A_271] : memref<4x128xi32, #tpu.memory_space<vmem>> -> memref<1x128xi32, #tpu.memory_space<vmem>>
    %dma_start3A_273 = tpu.memref_squeeze %dma_start3A_272 : memref<1x128xi32, #tpu.memory_space<vmem>> -> memref<128xi32, #tpu.memory_space<vmem>>
    %dma_start3A_274 = arith.constant 0 : i32
    %dma_start3A_275 = arith.constant 0 : i32
    %dma_start3A_276 = tpu.memref_slice %arg7[%dma_start3A_274, %dma_start3A_275] : memref<500x128xf32, #tpu.memory_space<hbm>> -> memref<500x128xf32, #tpu.memory_space<hbm>>
    tpu.enqueue_indirect_dma source(%dma_start3A_276 : memref<500x128xf32, #tpu.memory_space<hbm>>) target(%dma_start3A_270 : memref<128x128xf32, #tpu.memory_space<vmem>>) offsets(%dma_start3A_273 : memref<128xi32, #tpu.memory_space<vmem>>) semaphore(%arg16 : memref<!tpu.dma_semaphore, #tpu.memory_space<semaphore_mem>>)
    %dma_start3A_277 = arith.constant 3 : i32
    %dma_start3A_278 = arith.constant 384 : i32
    %dma_start3A_279 = arith.constant 0 : i32
    %dma_start3A_280 = tpu.memref_slice %arg15[%dma_start3A_278, %dma_start3A_279] : memref<512x128xf32, #tpu.memory_space<vmem>> -> memref<128x128xf32, #tpu.memory_space<vmem>>
    %dma_start3A_281 = arith.constant 0 : i32
    %dma_start3A_282 = tpu.memref_slice %arg14[%dma_start3A_277, %dma_start3A_281] : memref<4x128xi32, #tpu.memory_space<vmem>> -> memref<1x128xi32, #tpu.memory_space<vmem>>
    %dma_start3A_283 = tpu.memref_squeeze %dma_start3A_282 : memref<1x128xi32, #tpu.memory_space<vmem>> -> memref<128xi32, #tpu.memory_space<vmem>>
    %dma_start3A_284 = arith.constant 0 : i32
    %dma_start3A_285 = arith.constant 0 : i32
    %dma_start3A_286 = tpu.memref_slice %arg7[%dma_start3A_284, %dma_start3A_285] : memref<500x128xf32, #tpu.memory_space<hbm>> -> memref<500x128xf32, #tpu.memory_space<hbm>>
    tpu.enqueue_indirect_dma source(%dma_start3A_286 : memref<500x128xf32, #tpu.memory_space<hbm>>) target(%dma_start3A_280 : memref<128x128xf32, #tpu.memory_space<vmem>>) offsets(%dma_start3A_283 : memref<128xi32, #tpu.memory_space<vmem>>) semaphore(%arg16 : memref<!tpu.dma_semaphore, #tpu.memory_space<semaphore_mem>>)
    %dma_wait3A_287 = arith.constant 0 : i32
    %dma_wait3A_288 = arith.constant 0 : i32
    %dma_wait3A_289 = arith.constant 0 : i32
    %dma_wait3A_290 = tpu.memref_slice %arg15[%dma_wait3A_288, %dma_wait3A_289] : memref<512x128xf32, #tpu.memory_space<vmem>> -> memref<128x128xf32, #tpu.memory_space<vmem>>
    %dma_wait3A_291 = arith.constant 0 : i32
    %dma_wait3A_292 = tpu.memref_slice %arg14[%dma_wait3A_287, %dma_wait3A_291] : memref<4x128xi32, #tpu.memory_space<vmem>> -> memref<1x128xi32, #tpu.memory_space<vmem>>
    %dma_wait3A_293 = tpu.memref_squeeze %dma_wait3A_292 : memref<1x128xi32, #tpu.memory_space<vmem>> -> memref<128xi32, #tpu.memory_space<vmem>>
    %dma_wait3A_294 = arith.constant 0 : i32
    %dma_wait3A_295 = arith.constant 0 : i32
    %dma_wait3A_296 = tpu.memref_slice %arg7[%dma_wait3A_294, %dma_wait3A_295] : memref<500x128xf32, #tpu.memory_space<hbm>> -> memref<500x128xf32, #tpu.memory_space<hbm>>
    tpu.wait_indirect_dma semaphore(%arg16 : memref<!tpu.dma_semaphore, #tpu.memory_space<semaphore_mem>>) src(%dma_wait3A_296 : memref<500x128xf32, #tpu.memory_space<hbm>>) dst(%dma_wait3A_290 : memref<128x128xf32, #tpu.memory_space<vmem>>)
    %dma_wait3A_297 = arith.constant 1 : i32
    %dma_wait3A_298 = arith.constant 128 : i32
    %dma_wait3A_299 = arith.constant 0 : i32
    %dma_wait3A_300 = tpu.memref_slice %arg15[%dma_wait3A_298, %dma_wait3A_299] : memref<512x128xf32, #tpu.memory_space<vmem>> -> memref<128x128xf32, #tpu.memory_space<vmem>>
    %dma_wait3A_301 = arith.constant 0 : i32
    %dma_wait3A_302 = tpu.memref_slice %arg14[%dma_wait3A_297, %dma_wait3A_301] : memref<4x128xi32, #tpu.memory_space<vmem>> -> memref<1x128xi32, #tpu.memory_space<vmem>>
    %dma_wait3A_303 = tpu.memref_squeeze %dma_wait3A_302 : memref<1x128xi32, #tpu.memory_space<vmem>> -> memref<128xi32, #tpu.memory_space<vmem>>
    %dma_wait3A_304 = arith.constant 0 : i32
    %dma_wait3A_305 = arith.constant 0 : i32
    %dma_wait3A_306 = tpu.memref_slice %arg7[%dma_wait3A_304, %dma_wait3A_305] : memref<500x128xf32, #tpu.memory_space<hbm>> -> memref<500x128xf32, #tpu.memory_space<hbm>>
    tpu.wait_indirect_dma semaphore(%arg16 : memref<!tpu.dma_semaphore, #tpu.memory_space<semaphore_mem>>) src(%dma_wait3A_306 : memref<500x128xf32, #tpu.memory_space<hbm>>) dst(%dma_wait3A_300 : memref<128x128xf32, #tpu.memory_space<vmem>>)
    %dma_wait3A_307 = arith.constant 2 : i32
    %dma_wait3A_308 = arith.constant 256 : i32
    %dma_wait3A_309 = arith.constant 0 : i32
    %dma_wait3A_310 = tpu.memref_slice %arg15[%dma_wait3A_308, %dma_wait3A_309] : memref<512x128xf32, #tpu.memory_space<vmem>> -> memref<128x128xf32, #tpu.memory_space<vmem>>
    %dma_wait3A_311 = arith.constant 0 : i32
    %dma_wait3A_312 = tpu.memref_slice %arg14[%dma_wait3A_307, %dma_wait3A_311] : memref<4x128xi32, #tpu.memory_space<vmem>> -> memref<1x128xi32, #tpu.memory_space<vmem>>
    %dma_wait3A_313 = tpu.memref_squeeze %dma_wait3A_312 : memref<1x128xi32, #tpu.memory_space<vmem>> -> memref<128xi32, #tpu.memory_space<vmem>>
    %dma_wait3A_314 = arith.constant 0 : i32
    %dma_wait3A_315 = arith.constant 0 : i32
    %dma_wait3A_316 = tpu.memref_slice %arg7[%dma_wait3A_314, %dma_wait3A_315] : memref<500x128xf32, #tpu.memory_space<hbm>> -> memref<500x128xf32, #tpu.memory_space<hbm>>
    tpu.wait_indirect_dma semaphore(%arg16 : memref<!tpu.dma_semaphore, #tpu.memory_space<semaphore_mem>>) src(%dma_wait3A_316 : memref<500x128xf32, #tpu.memory_space<hbm>>) dst(%dma_wait3A_310 : memref<128x128xf32, #tpu.memory_space<vmem>>)
    %dma_wait3A_317 = arith.constant 3 : i32
    %dma_wait3A_318 = arith.constant 384 : i32
    %dma_wait3A_319 = arith.constant 0 : i32
    %dma_wait3A_320 = tpu.memref_slice %arg15[%dma_wait3A_318, %dma_wait3A_319] : memref<512x128xf32, #tpu.memory_space<vmem>> -> memref<128x128xf32, #tpu.memory_space<vmem>>
    %dma_wait3A_321 = arith.constant 0 : i32
    %dma_wait3A_322 = tpu.memref_slice %arg14[%dma_wait3A_317, %dma_wait3A_321] : memref<4x128xi32, #tpu.memory_space<vmem>> -> memref<1x128xi32, #tpu.memory_space<vmem>>
    %dma_wait3A_323 = tpu.memref_squeeze %dma_wait3A_322 : memref<1x128xi32, #tpu.memory_space<vmem>> -> memref<128xi32, #tpu.memory_space<vmem>>
    %dma_wait3A_324 = arith.constant 0 : i32
    %dma_wait3A_325 = arith.constant 0 : i32
    %dma_wait3A_326 = tpu.memref_slice %arg7[%dma_wait3A_324, %dma_wait3A_325] : memref<500x128xf32, #tpu.memory_space<hbm>> -> memref<500x128xf32, #tpu.memory_space<hbm>>
    tpu.wait_indirect_dma semaphore(%arg16 : memref<!tpu.dma_semaphore, #tpu.memory_space<semaphore_mem>>) src(%dma_wait3A_326 : memref<500x128xf32, #tpu.memory_space<hbm>>) dst(%dma_wait3A_320 : memref<128x128xf32, #tpu.memory_space<vmem>>)
    %mul3A_327 = arith.constant 512 : i32
    %mul3A_328 = arith.muli %add3A, %mul3A_327 : i32
    "tpu.region"() ({
      %run_scoped3A = tpu.sem_alloc : memref<!tpu.dma_semaphore, #tpu.memory_space<semaphore_mem>>
      %dma_start3A_411 = arith.constant 0 : i32
      %dma_start3A_412 = tpu.memref_slice %arg12[%mul3A_328, %dma_start3A_411] : memref<16384x128xf32, #tpu.memory_space<hbm>> -> memref<512x128xf32, #tpu.memory_space<hbm>>
      %dma_start3A_413 = arith.constant 0 : i32
      %dma_start3A_414 = tpu.memref_slice %arg12[%mul3A_328, %dma_start3A_413] : memref<16384x128xf32, #tpu.memory_space<hbm>> -> memref<512x128xf32, #tpu.memory_space<hbm>>
      tpu.enqueue_dma source(%arg15 : memref<512x128xf32, #tpu.memory_space<vmem>>) target(%dma_start3A_414 : memref<512x128xf32, #tpu.memory_space<hbm>>) target_semaphore(%run_scoped3A : memref<!tpu.dma_semaphore, #tpu.memory_space<semaphore_mem>>)
      %dma_wait3A_415 = arith.constant 0 : i32
      %dma_wait3A_416 = tpu.memref_slice %arg12[%mul3A_328, %dma_wait3A_415] : memref<16384x128xf32, #tpu.memory_space<hbm>> -> memref<512x128xf32, #tpu.memory_space<hbm>>
      %dma_wait3A_417 = arith.constant 0 : i32
      %dma_wait3A_418 = tpu.memref_slice %arg12[%mul3A_328, %dma_wait3A_417] : memref<16384x128xf32, #tpu.memory_space<hbm>> -> memref<512x128xf32, #tpu.memory_space<hbm>>
      tpu.wait_dma2 semaphore(%run_scoped3A : memref<!tpu.dma_semaphore, #tpu.memory_space<semaphore_mem>>) src(%arg15 : memref<512x128xf32, #tpu.memory_space<vmem>>) dst(%dma_wait3A_418 : memref<512x128xf32, #tpu.memory_space<hbm>>)
      tpu.yield
    }) : () -> ()
    "tpu.region"() ({
      %run_scoped3A = tpu.sem_alloc : memref<!tpu.dma_semaphore, #tpu.memory_space<semaphore_mem>>
      %dma_start3A_411 = arith.constant 0 : i32
      %dma_start3A_412 = tpu.memref_slice %arg5[%mul3A_2, %dma_start3A_411] : memref<128x128xi32, #tpu.memory_space<hbm>> -> memref<4x128xi32, #tpu.memory_space<hbm>>
      %dma_start3A_413 = arith.constant 0 : i32
      %dma_start3A_414 = tpu.memref_slice %arg5[%mul3A_2, %dma_start3A_413] : memref<128x128xi32, #tpu.memory_space<hbm>> -> memref<4x128xi32, #tpu.memory_space<hbm>>
      tpu.enqueue_dma source(%dma_start3A_414 : memref<4x128xi32, #tpu.memory_space<hbm>>) target(%arg14 : memref<4x128xi32, #tpu.memory_space<vmem>>) target_semaphore(%run_scoped3A : memref<!tpu.dma_semaphore, #tpu.memory_space<semaphore_mem>>)
      %dma_wait3A_415 = arith.constant 0 : i32
      %dma_wait3A_416 = tpu.memref_slice %arg5[%mul3A_2, %dma_wait3A_415] : memref<128x128xi32, #tpu.memory_space<hbm>> -> memref<4x128xi32, #tpu.memory_space<hbm>>
      %dma_wait3A_417 = arith.constant 0 : i32
      %dma_wait3A_418 = tpu.memref_slice %arg5[%mul3A_2, %dma_wait3A_417] : memref<128x128xi32, #tpu.memory_space<hbm>> -> memref<4x128xi32, #tpu.memory_space<hbm>>
      tpu.wait_dma2 semaphore(%run_scoped3A : memref<!tpu.dma_semaphore, #tpu.memory_space<semaphore_mem>>) src(%dma_wait3A_418 : memref<4x128xi32, #tpu.memory_space<hbm>>) dst(%arg14 : memref<4x128xi32, #tpu.memory_space<vmem>>)
      tpu.yield
    }) : () -> ()
    %dma_start3A_329 = arith.constant 0 : i32
    %dma_start3A_330 = arith.constant 0 : i32
    %dma_start3A_331 = arith.constant 0 : i32
    %dma_start3A_332 = tpu.memref_slice %arg15[%dma_start3A_330, %dma_start3A_331] : memref<512x128xf32, #tpu.memory_space<vmem>> -> memref<128x128xf32, #tpu.memory_space<vmem>>
    %dma_start3A_333 = arith.constant 0 : i32
    %dma_start3A_334 = tpu.memref_slice %arg14[%dma_start3A_329, %dma_start3A_333] : memref<4x128xi32, #tpu.memory_space<vmem>> -> memref<1x128xi32, #tpu.memory_space<vmem>>
    %dma_start3A_335 = tpu.memref_squeeze %dma_start3A_334 : memref<1x128xi32, #tpu.memory_space<vmem>> -> memref<128xi32, #tpu.memory_space<vmem>>
    %dma_start3A_336 = arith.constant 0 : i32
    %dma_start3A_337 = arith.constant 0 : i32
    %dma_start3A_338 = tpu.memref_slice %arg8[%dma_start3A_336, %dma_start3A_337] : memref<500x128xf32, #tpu.memory_space<hbm>> -> memref<500x128xf32, #tpu.memory_space<hbm>>
    tpu.enqueue_indirect_dma source(%dma_start3A_338 : memref<500x128xf32, #tpu.memory_space<hbm>>) target(%dma_start3A_332 : memref<128x128xf32, #tpu.memory_space<vmem>>) offsets(%dma_start3A_335 : memref<128xi32, #tpu.memory_space<vmem>>) semaphore(%arg16 : memref<!tpu.dma_semaphore, #tpu.memory_space<semaphore_mem>>)
    %dma_start3A_339 = arith.constant 1 : i32
    %dma_start3A_340 = arith.constant 128 : i32
    %dma_start3A_341 = arith.constant 0 : i32
    %dma_start3A_342 = tpu.memref_slice %arg15[%dma_start3A_340, %dma_start3A_341] : memref<512x128xf32, #tpu.memory_space<vmem>> -> memref<128x128xf32, #tpu.memory_space<vmem>>
    %dma_start3A_343 = arith.constant 0 : i32
    %dma_start3A_344 = tpu.memref_slice %arg14[%dma_start3A_339, %dma_start3A_343] : memref<4x128xi32, #tpu.memory_space<vmem>> -> memref<1x128xi32, #tpu.memory_space<vmem>>
    %dma_start3A_345 = tpu.memref_squeeze %dma_start3A_344 : memref<1x128xi32, #tpu.memory_space<vmem>> -> memref<128xi32, #tpu.memory_space<vmem>>
    %dma_start3A_346 = arith.constant 0 : i32
    %dma_start3A_347 = arith.constant 0 : i32
    %dma_start3A_348 = tpu.memref_slice %arg8[%dma_start3A_346, %dma_start3A_347] : memref<500x128xf32, #tpu.memory_space<hbm>> -> memref<500x128xf32, #tpu.memory_space<hbm>>
    tpu.enqueue_indirect_dma source(%dma_start3A_348 : memref<500x128xf32, #tpu.memory_space<hbm>>) target(%dma_start3A_342 : memref<128x128xf32, #tpu.memory_space<vmem>>) offsets(%dma_start3A_345 : memref<128xi32, #tpu.memory_space<vmem>>) semaphore(%arg16 : memref<!tpu.dma_semaphore, #tpu.memory_space<semaphore_mem>>)
    %dma_start3A_349 = arith.constant 2 : i32
    %dma_start3A_350 = arith.constant 256 : i32
    %dma_start3A_351 = arith.constant 0 : i32
    %dma_start3A_352 = tpu.memref_slice %arg15[%dma_start3A_350, %dma_start3A_351] : memref<512x128xf32, #tpu.memory_space<vmem>> -> memref<128x128xf32, #tpu.memory_space<vmem>>
    %dma_start3A_353 = arith.constant 0 : i32
    %dma_start3A_354 = tpu.memref_slice %arg14[%dma_start3A_349, %dma_start3A_353] : memref<4x128xi32, #tpu.memory_space<vmem>> -> memref<1x128xi32, #tpu.memory_space<vmem>>
    %dma_start3A_355 = tpu.memref_squeeze %dma_start3A_354 : memref<1x128xi32, #tpu.memory_space<vmem>> -> memref<128xi32, #tpu.memory_space<vmem>>
    %dma_start3A_356 = arith.constant 0 : i32
    %dma_start3A_357 = arith.constant 0 : i32
    %dma_start3A_358 = tpu.memref_slice %arg8[%dma_start3A_356, %dma_start3A_357] : memref<500x128xf32, #tpu.memory_space<hbm>> -> memref<500x128xf32, #tpu.memory_space<hbm>>
    tpu.enqueue_indirect_dma source(%dma_start3A_358 : memref<500x128xf32, #tpu.memory_space<hbm>>) target(%dma_start3A_352 : memref<128x128xf32, #tpu.memory_space<vmem>>) offsets(%dma_start3A_355 : memref<128xi32, #tpu.memory_space<vmem>>) semaphore(%arg16 : memref<!tpu.dma_semaphore, #tpu.memory_space<semaphore_mem>>)
    %dma_start3A_359 = arith.constant 3 : i32
    %dma_start3A_360 = arith.constant 384 : i32
    %dma_start3A_361 = arith.constant 0 : i32
    %dma_start3A_362 = tpu.memref_slice %arg15[%dma_start3A_360, %dma_start3A_361] : memref<512x128xf32, #tpu.memory_space<vmem>> -> memref<128x128xf32, #tpu.memory_space<vmem>>
    %dma_start3A_363 = arith.constant 0 : i32
    %dma_start3A_364 = tpu.memref_slice %arg14[%dma_start3A_359, %dma_start3A_363] : memref<4x128xi32, #tpu.memory_space<vmem>> -> memref<1x128xi32, #tpu.memory_space<vmem>>
    %dma_start3A_365 = tpu.memref_squeeze %dma_start3A_364 : memref<1x128xi32, #tpu.memory_space<vmem>> -> memref<128xi32, #tpu.memory_space<vmem>>
    %dma_start3A_366 = arith.constant 0 : i32
    %dma_start3A_367 = arith.constant 0 : i32
    %dma_start3A_368 = tpu.memref_slice %arg8[%dma_start3A_366, %dma_start3A_367] : memref<500x128xf32, #tpu.memory_space<hbm>> -> memref<500x128xf32, #tpu.memory_space<hbm>>
    tpu.enqueue_indirect_dma source(%dma_start3A_368 : memref<500x128xf32, #tpu.memory_space<hbm>>) target(%dma_start3A_362 : memref<128x128xf32, #tpu.memory_space<vmem>>) offsets(%dma_start3A_365 : memref<128xi32, #tpu.memory_space<vmem>>) semaphore(%arg16 : memref<!tpu.dma_semaphore, #tpu.memory_space<semaphore_mem>>)
    %dma_wait3A_369 = arith.constant 0 : i32
    %dma_wait3A_370 = arith.constant 0 : i32
    %dma_wait3A_371 = arith.constant 0 : i32
    %dma_wait3A_372 = tpu.memref_slice %arg15[%dma_wait3A_370, %dma_wait3A_371] : memref<512x128xf32, #tpu.memory_space<vmem>> -> memref<128x128xf32, #tpu.memory_space<vmem>>
    %dma_wait3A_373 = arith.constant 0 : i32
    %dma_wait3A_374 = tpu.memref_slice %arg14[%dma_wait3A_369, %dma_wait3A_373] : memref<4x128xi32, #tpu.memory_space<vmem>> -> memref<1x128xi32, #tpu.memory_space<vmem>>
    %dma_wait3A_375 = tpu.memref_squeeze %dma_wait3A_374 : memref<1x128xi32, #tpu.memory_space<vmem>> -> memref<128xi32, #tpu.memory_space<vmem>>
    %dma_wait3A_376 = arith.constant 0 : i32
    %dma_wait3A_377 = arith.constant 0 : i32
    %dma_wait3A_378 = tpu.memref_slice %arg8[%dma_wait3A_376, %dma_wait3A_377] : memref<500x128xf32, #tpu.memory_space<hbm>> -> memref<500x128xf32, #tpu.memory_space<hbm>>
    tpu.wait_indirect_dma semaphore(%arg16 : memref<!tpu.dma_semaphore, #tpu.memory_space<semaphore_mem>>) src(%dma_wait3A_378 : memref<500x128xf32, #tpu.memory_space<hbm>>) dst(%dma_wait3A_372 : memref<128x128xf32, #tpu.memory_space<vmem>>)
    %dma_wait3A_379 = arith.constant 1 : i32
    %dma_wait3A_380 = arith.constant 128 : i32
    %dma_wait3A_381 = arith.constant 0 : i32
    %dma_wait3A_382 = tpu.memref_slice %arg15[%dma_wait3A_380, %dma_wait3A_381] : memref<512x128xf32, #tpu.memory_space<vmem>> -> memref<128x128xf32, #tpu.memory_space<vmem>>
    %dma_wait3A_383 = arith.constant 0 : i32
    %dma_wait3A_384 = tpu.memref_slice %arg14[%dma_wait3A_379, %dma_wait3A_383] : memref<4x128xi32, #tpu.memory_space<vmem>> -> memref<1x128xi32, #tpu.memory_space<vmem>>
    %dma_wait3A_385 = tpu.memref_squeeze %dma_wait3A_384 : memref<1x128xi32, #tpu.memory_space<vmem>> -> memref<128xi32, #tpu.memory_space<vmem>>
    %dma_wait3A_386 = arith.constant 0 : i32
    %dma_wait3A_387 = arith.constant 0 : i32
    %dma_wait3A_388 = tpu.memref_slice %arg8[%dma_wait3A_386, %dma_wait3A_387] : memref<500x128xf32, #tpu.memory_space<hbm>> -> memref<500x128xf32, #tpu.memory_space<hbm>>
    tpu.wait_indirect_dma semaphore(%arg16 : memref<!tpu.dma_semaphore, #tpu.memory_space<semaphore_mem>>) src(%dma_wait3A_388 : memref<500x128xf32, #tpu.memory_space<hbm>>) dst(%dma_wait3A_382 : memref<128x128xf32, #tpu.memory_space<vmem>>)
    %dma_wait3A_389 = arith.constant 2 : i32
    %dma_wait3A_390 = arith.constant 256 : i32
    %dma_wait3A_391 = arith.constant 0 : i32
    %dma_wait3A_392 = tpu.memref_slice %arg15[%dma_wait3A_390, %dma_wait3A_391] : memref<512x128xf32, #tpu.memory_space<vmem>> -> memref<128x128xf32, #tpu.memory_space<vmem>>
    %dma_wait3A_393 = arith.constant 0 : i32
    %dma_wait3A_394 = tpu.memref_slice %arg14[%dma_wait3A_389, %dma_wait3A_393] : memref<4x128xi32, #tpu.memory_space<vmem>> -> memref<1x128xi32, #tpu.memory_space<vmem>>
    %dma_wait3A_395 = tpu.memref_squeeze %dma_wait3A_394 : memref<1x128xi32, #tpu.memory_space<vmem>> -> memref<128xi32, #tpu.memory_space<vmem>>
    %dma_wait3A_396 = arith.constant 0 : i32
    %dma_wait3A_397 = arith.constant 0 : i32
    %dma_wait3A_398 = tpu.memref_slice %arg8[%dma_wait3A_396, %dma_wait3A_397] : memref<500x128xf32, #tpu.memory_space<hbm>> -> memref<500x128xf32, #tpu.memory_space<hbm>>
    tpu.wait_indirect_dma semaphore(%arg16 : memref<!tpu.dma_semaphore, #tpu.memory_space<semaphore_mem>>) src(%dma_wait3A_398 : memref<500x128xf32, #tpu.memory_space<hbm>>) dst(%dma_wait3A_392 : memref<128x128xf32, #tpu.memory_space<vmem>>)
    %dma_wait3A_399 = arith.constant 3 : i32
    %dma_wait3A_400 = arith.constant 384 : i32
    %dma_wait3A_401 = arith.constant 0 : i32
    %dma_wait3A_402 = tpu.memref_slice %arg15[%dma_wait3A_400, %dma_wait3A_401] : memref<512x128xf32, #tpu.memory_space<vmem>> -> memref<128x128xf32, #tpu.memory_space<vmem>>
    %dma_wait3A_403 = arith.constant 0 : i32
    %dma_wait3A_404 = tpu.memref_slice %arg14[%dma_wait3A_399, %dma_wait3A_403] : memref<4x128xi32, #tpu.memory_space<vmem>> -> memref<1x128xi32, #tpu.memory_space<vmem>>
    %dma_wait3A_405 = tpu.memref_squeeze %dma_wait3A_404 : memref<1x128xi32, #tpu.memory_space<vmem>> -> memref<128xi32, #tpu.memory_space<vmem>>
    %dma_wait3A_406 = arith.constant 0 : i32
    %dma_wait3A_407 = arith.constant 0 : i32
    %dma_wait3A_408 = tpu.memref_slice %arg8[%dma_wait3A_406, %dma_wait3A_407] : memref<500x128xf32, #tpu.memory_space<hbm>> -> memref<500x128xf32, #tpu.memory_space<hbm>>
    tpu.wait_indirect_dma semaphore(%arg16 : memref<!tpu.dma_semaphore, #tpu.memory_space<semaphore_mem>>) src(%dma_wait3A_408 : memref<500x128xf32, #tpu.memory_space<hbm>>) dst(%dma_wait3A_402 : memref<128x128xf32, #tpu.memory_space<vmem>>)
    %mul3A_409 = arith.constant 512 : i32
    %mul3A_410 = arith.muli %add3A, %mul3A_409 : i32
    "tpu.region"() ({
      %run_scoped3A = tpu.sem_alloc : memref<!tpu.dma_semaphore, #tpu.memory_space<semaphore_mem>>
      %dma_start3A_411 = arith.constant 0 : i32
      %dma_start3A_412 = tpu.memref_slice %arg13[%mul3A_410, %dma_start3A_411] : memref<16384x128xf32, #tpu.memory_space<hbm>> -> memref<512x128xf32, #tpu.memory_space<hbm>>
      %dma_start3A_413 = arith.constant 0 : i32
      %dma_start3A_414 = tpu.memref_slice %arg13[%mul3A_410, %dma_start3A_413] : memref<16384x128xf32, #tpu.memory_space<hbm>> -> memref<512x128xf32, #tpu.memory_space<hbm>>
      tpu.enqueue_dma source(%arg15 : memref<512x128xf32, #tpu.memory_space<vmem>>) target(%dma_start3A_414 : memref<512x128xf32, #tpu.memory_space<hbm>>) target_semaphore(%run_scoped3A : memref<!tpu.dma_semaphore, #tpu.memory_space<semaphore_mem>>)
      %dma_wait3A_415 = arith.constant 0 : i32
      %dma_wait3A_416 = tpu.memref_slice %arg13[%mul3A_410, %dma_wait3A_415] : memref<16384x128xf32, #tpu.memory_space<hbm>> -> memref<512x128xf32, #tpu.memory_space<hbm>>
      %dma_wait3A_417 = arith.constant 0 : i32
      %dma_wait3A_418 = tpu.memref_slice %arg13[%mul3A_410, %dma_wait3A_417] : memref<16384x128xf32, #tpu.memory_space<hbm>> -> memref<512x128xf32, #tpu.memory_space<hbm>>
      tpu.wait_dma2 semaphore(%run_scoped3A : memref<!tpu.dma_semaphore, #tpu.memory_space<semaphore_mem>>) src(%arg15 : memref<512x128xf32, #tpu.memory_space<vmem>>) dst(%dma_wait3A_418 : memref<512x128xf32, #tpu.memory_space<hbm>>)
      tpu.yield
    }) : () -> ()
    return
  }
}

module attributes {stable_mosaic.version = 14 : i64} {
  func.func @_scan_pack_body(%arg0: i32, %arg1: memref<10000x64xf32, #tpu.memory_space<vmem>>, %arg2: memref<10000x64xf32, #tpu.memory_space<vmem>>, %arg3: memref<1x1xf32, #tpu.memory_space<vmem>>, %arg4: memref<10000x128xf32, #tpu.memory_space<vmem>>) attributes {dimension_semantics = [#tpu.dimension_semantics<arbitrary>], iteration_bounds = array<i64: 50>, scalar_prefetch = 0 : i64, scratch_operands = 0 : i64, tpu.core_type = #tpu.core_type<tc>, window_params = [{transform_indices = @transform_0, window_bounds = array<i64: 10000, 64>}, {transform_indices = @transform_1, window_bounds = array<i64: 10000, 64>}, {pipeline_mode = #tpu.pipeline_mode<synchronous>, transform_indices = @transform_2, window_bounds = array<i64: 1, 1>}, {transform_indices = @transform_3, window_bounds = array<i64: 10000, 128>}]} {
    %eq3A = arith.constant 0 : i32
    %eq3A_0 = arith.cmpi eq, %arg0, %eq3A : i32
    %convert_element_type3A = arith.extui %eq3A_0 : i1 to i32
    %cond3A = arith.constant 0 : i32
    %cond3A_1 = arith.cmpi ne, %convert_element_type3A, %cond3A : i32
    scf.if %cond3A_1 {
      %broadcast_in_dim3A = arith.constant 0.000000e+00 : f32
      %broadcast_in_dim3A_49 = vector.broadcast %broadcast_in_dim3A : f32 to vector<1x1xf32>
      %swap3A_50 = arith.constant 0 : index
      %swap3A_51 = arith.constant 0 : index
      %swap3A_52 = vector.load %arg3[%swap3A_50, %swap3A_51] : memref<1x1xf32, #tpu.memory_space<vmem>>, vector<1x1xf32>
      tpu.vector_store %arg3[%swap3A_50, %swap3A_51], %broadcast_in_dim3A_49 {strides = array<i32>} : memref<1x1xf32, #tpu.memory_space<vmem>>, vector<1x1xf32>,
    } else {
    }
    %get3A = arith.constant 0 : index
    %get3A_2 = arith.constant 0 : index
    %get3A_3 = vector.load %arg1[%get3A, %get3A_2] : memref<10000x64xf32, #tpu.memory_space<vmem>>, vector<10000x64xf32>
    %get3A_4 = arith.constant 0 : index
    %get3A_5 = arith.constant 0 : index
    %get3A_6 = vector.load %arg2[%get3A_4, %get3A_5] : memref<10000x64xf32, #tpu.memory_space<vmem>>, vector<10000x64xf32>
    %mul3A = arith.mulf %get3A_3, %get3A_3 : vector<10000x64xf32>
    %reduce_sum3A = arith.constant dense<0.000000e+00> : vector<10000xf32>
    %reduce_sum3A_7 = vector.multi_reduction <add>, %mul3A, %reduce_sum3A [1] : vector<10000x64xf32> to vector<10000xf32>
    %max3A = arith.constant 9.99999991E-38 : f32
    %max3A_8 = vector.broadcast %max3A : f32 to vector<10000xf32>
    %max3A_9 = arith.maximumf %reduce_sum3A_7, %max3A_8 : vector<10000xf32>
    %rsqrt3A = math.rsqrt %max3A_9 : vector<10000xf32>
    %mul3A_10 = arith.mulf %reduce_sum3A_7, %rsqrt3A : vector<10000xf32>
    %mul3A_11 = arith.mulf %get3A_6, %get3A_6 : vector<10000x64xf32>
    %reduce_sum3A_12 = arith.constant dense<0.000000e+00> : vector<10000xf32>
    %reduce_sum3A_13 = vector.multi_reduction <add>, %mul3A_11, %reduce_sum3A_12 [1] : vector<10000x64xf32> to vector<10000xf32>
    %max3A_14 = arith.constant 9.99999991E-38 : f32
    %max3A_15 = vector.broadcast %max3A_14 : f32 to vector<10000xf32>
    %max3A_16 = arith.maximumf %reduce_sum3A_13, %max3A_15 : vector<10000xf32>
    %rsqrt3A_17 = math.rsqrt %max3A_16 : vector<10000xf32>
    %mul3A_18 = arith.mulf %reduce_sum3A_13, %rsqrt3A_17 : vector<10000xf32>
    %sub3A = arith.constant 1.000000e+00 : f32
    %sub3A_19 = vector.broadcast %sub3A : f32 to vector<10000xf32>
    %sub3A_20 = arith.subf %mul3A_10, %sub3A_19 : vector<10000xf32>
    %max3A_21 = arith.constant 0.000000e+00 : f32
    %max3A_22 = vector.broadcast %max3A_21 : f32 to vector<10000xf32>
    %max3A_23 = arith.maximumf %sub3A_20, %max3A_22 : vector<10000xf32>
    %reduce_sum3A_24 = vector.shape_cast %max3A_23 : vector<10000xf32> to vector<1x10000xf32>
    %reduce_sum3A_25 = arith.constant dense<0.000000e+00> : vector<1xf32>
    %reduce_sum3A_26 = vector.multi_reduction <add>, %reduce_sum3A_24, %reduce_sum3A_25 [1] : vector<1x10000xf32> to vector<1xf32>
    %reduce_sum3A_27 = vector.shape_cast %reduce_sum3A_26 : vector<1xf32> to vector<1x1xf32>
    %reduce_sum3A_28 = vector.extract %reduce_sum3A_27[0, 0] : f32 from vector<1x1xf32>
    %sub3A_29 = arith.constant 1.000000e+00 : f32
    %sub3A_30 = vector.broadcast %sub3A_29 : f32 to vector<10000xf32>
    %sub3A_31 = arith.subf %mul3A_18, %sub3A_30 : vector<10000xf32>
    %max3A_32 = arith.constant 0.000000e+00 : f32
    %max3A_33 = vector.broadcast %max3A_32 : f32 to vector<10000xf32>
    %max3A_34 = arith.maximumf %sub3A_31, %max3A_33 : vector<10000xf32>
    %reduce_sum3A_35 = vector.shape_cast %max3A_34 : vector<10000xf32> to vector<1x10000xf32>
    %reduce_sum3A_36 = arith.constant dense<0.000000e+00> : vector<1xf32>
    %reduce_sum3A_37 = vector.multi_reduction <add>, %reduce_sum3A_35, %reduce_sum3A_36 [1] : vector<1x10000xf32> to vector<1xf32>
    %reduce_sum3A_38 = vector.shape_cast %reduce_sum3A_37 : vector<1xf32> to vector<1x1xf32>
    %reduce_sum3A_39 = vector.extract %reduce_sum3A_38[0, 0] : f32 from vector<1x1xf32>
    %add3A = arith.addf %reduce_sum3A_28, %reduce_sum3A_39 : f32
    %get3A_40 = arith.constant 0 : index
    %get3A_41 = arith.constant 0 : index
    %get3A_42 = vector.load %arg3[%get3A_40, %get3A_41] : memref<1x1xf32, #tpu.memory_space<vmem>>, vector<1x1xf32>
    %reshape3A = vector.broadcast %add3A : f32 to vector<1x1xf32>
    %add3A_43 = arith.addf %get3A_42, %reshape3A : vector<1x1xf32>
    %swap3A = arith.constant 0 : index
    %swap3A_44 = arith.constant 0 : index
    %swap3A_45 = vector.load %arg3[%swap3A, %swap3A_44] : memref<1x1xf32, #tpu.memory_space<vmem>>, vector<1x1xf32>
    tpu.vector_store %arg3[%swap3A, %swap3A_44], %add3A_43 {strides = array<i32>} : memref<1x1xf32, #tpu.memory_space<vmem>>, vector<1x1xf32>,
    %concatenate3A = tpu.concatenate %get3A_3, %get3A_6 in 1 : vector<10000x64xf32>, vector<10000x64xf32> -> vector<10000x128xf32>
    %swap3A_46 = arith.constant 0 : index
    %swap3A_47 = arith.constant 0 : index
    %swap3A_48 = vector.load %arg4[%swap3A_46, %swap3A_47] : memref<10000x128xf32, #tpu.memory_space<vmem>>, vector<10000x128xf32>
    tpu.vector_store %arg4[%swap3A_46, %swap3A_47], %concatenate3A {strides = array<i32>} : memref<10000x128xf32, #tpu.memory_space<vmem>>, vector<10000x128xf32>,
    return
  }
  func.func @transform_0(%arg0: i32) -> (i32, i32) {
    %c0_i32 = arith.constant 0 : i32
    %c0_i32_0 = arith.constant 0 : i32
    return %arg0, %c0_i32 : i32, i32
  }
  func.func @transform_1(%arg0: i32) -> (i32, i32) {
    %add3A = arith.constant 50 : i32
    %add3A_0 = arith.addi %arg0, %add3A : i32
    %c0_i32 = arith.constant 0 : i32
    %c0_i32_1 = arith.constant 0 : i32
    return %add3A_0, %c0_i32 : i32, i32
  }
  func.func @transform_2(%arg0: i32) -> (i32, i32) {
    %c0_i32 = arith.constant 0 : i32
    %c0_i32_0 = arith.constant 0 : i32
    %c0_i32_1 = arith.constant 0 : i32
    return %c0_i32, %c0_i32_0 : i32, i32
  }
  func.func @transform_3(%arg0: i32) -> (i32, i32) {
    %c0_i32 = arith.constant 0 : i32
    %c0_i32_0 = arith.constant 0 : i32
    return %arg0, %c0_i32 : i32, i32
  }
}

module attributes {stable_mosaic.version = 14 : i64} {
  func.func @_score_body(%arg0: i32, %arg1: memref<2048x128xf32, #tpu.memory_space<vmem>>, %arg2: memref<2048x128xf32, #tpu.memory_space<vmem>>, %arg3: memref<2048x128xf32, #tpu.memory_space<vmem>>, %arg4: memref<2048x128xf32, #tpu.memory_space<vmem>>, %arg5: memref<2048x128xf32, #tpu.memory_space<vmem>>, %arg6: memref<2048x4xf32, #tpu.memory_space<vmem>>, %arg7: memref<1000x64xf32, #tpu.memory_space<vmem>>, %arg8: memref<1000x64xf32, #tpu.memory_space<vmem>>, %arg9: memref<1x1xf32, #tpu.memory_space<vmem>>) attributes {dimension_semantics = [#tpu.dimension_semantics<arbitrary>], iteration_bounds = array<i64: 8>, scalar_prefetch = 0 : i64, scratch_operands = 0 : i64, tpu.core_type = #tpu.core_type<tc>, window_params = [{transform_indices = @transform_0, window_bounds = array<i64: 2048, 128>}, {transform_indices = @transform_1, window_bounds = array<i64: 2048, 128>}, {transform_indices = @transform_2, window_bounds = array<i64: 2048, 128>}, {transform_indices = @transform_3, window_bounds = array<i64: 2048, 128>}, {transform_indices = @transform_4, window_bounds = array<i64: 2048, 128>}, {transform_indices = @transform_5, window_bounds = array<i64: 2048, 4>}, {pipeline_mode = #tpu.pipeline_mode<synchronous>, transform_indices = @transform_6, window_bounds = array<i64: 1000, 64>}, {pipeline_mode = #tpu.pipeline_mode<synchronous>, transform_indices = @transform_7, window_bounds = array<i64: 1000, 64>}, {pipeline_mode = #tpu.pipeline_mode<synchronous>, transform_indices = @transform_8, window_bounds = array<i64: 1, 1>}]} {
    %eq3A = arith.constant 0 : i32
    %eq3A_0 = arith.cmpi eq, %arg0, %eq3A : i32
    %convert_element_type3A = arith.extui %eq3A_0 : i1 to i32
    %cond3A = arith.constant 0 : i32
    %cond3A_1 = arith.cmpi ne, %convert_element_type3A, %cond3A : i32
    scf.if %cond3A_1 {
      %get3A_122 = arith.constant 0 : index
      %get3A_123 = arith.constant 0 : index
      %get3A_124 = vector.load %arg7[%get3A_122, %get3A_123] : memref<1000x64xf32, #tpu.memory_space<vmem>>, vector<1000x64xf32>
      %get3A_125 = arith.constant 0 : index
      %get3A_126 = arith.constant 0 : index
      %get3A_127 = vector.load %arg8[%get3A_125, %get3A_126] : memref<1000x64xf32, #tpu.memory_space<vmem>>, vector<1000x64xf32>
      %mul3A_128 = arith.mulf %get3A_124, %get3A_127 : vector<1000x64xf32>
      %reduce_sum3A_129 = arith.constant dense<0.000000e+00> : vector<1000xf32>
      %reduce_sum3A_130 = vector.multi_reduction <add>, %mul3A_128, %reduce_sum3A_129 [1] : vector<1000x64xf32> to vector<1000xf32>
      %mul3A_131 = arith.mulf %get3A_124, %get3A_124 : vector<1000x64xf32>
      %reduce_sum3A_132 = arith.constant dense<0.000000e+00> : vector<1000xf32>
      %reduce_sum3A_133 = vector.multi_reduction <add>, %mul3A_131, %reduce_sum3A_132 [1] : vector<1000x64xf32> to vector<1000xf32>
      %max3A_134 = arith.constant 9.99999991E-38 : f32
      %max3A_135 = vector.broadcast %max3A_134 : f32 to vector<1000xf32>
      %max3A_136 = arith.maximumf %reduce_sum3A_133, %max3A_135 : vector<1000xf32>
      %rsqrt3A_137 = math.rsqrt %max3A_136 : vector<1000xf32>
      %mul3A_138 = arith.mulf %reduce_sum3A_133, %rsqrt3A_137 : vector<1000xf32>
      %div3A_139 = arith.divf %reduce_sum3A_130, %mul3A_138 : vector<1000xf32>
      %sub3A_140 = arith.constant 9.99999997E-7 : f32
      %sub3A_141 = vector.broadcast %sub3A_140 : f32 to vector<1000xf32>
      %sub3A_142 = arith.subf %div3A_139, %sub3A_141 : vector<1000xf32>
      %max3A_143 = arith.constant 0.000000e+00 : f32
      %max3A_144 = vector.broadcast %max3A_143 : f32 to vector<1000xf32>
      %max3A_145 = arith.maximumf %sub3A_142, %max3A_144 : vector<1000xf32>
      %reduce_sum3A_146 = vector.shape_cast %max3A_145 : vector<1000xf32> to vector<1x1000xf32>
      %reduce_sum3A_147 = arith.constant dense<0.000000e+00> : vector<1xf32>
      %reduce_sum3A_148 = vector.multi_reduction <add>, %reduce_sum3A_146, %reduce_sum3A_147 [1] : vector<1x1000xf32> to vector<1xf32>
      %reduce_sum3A_149 = vector.shape_cast %reduce_sum3A_148 : vector<1xf32> to vector<1x1xf32>
      %reduce_sum3A_150 = vector.extract %reduce_sum3A_149[0, 0] : f32 from vector<1x1xf32>
      %div3A_151 = arith.constant 1.000000e+03 : f32
      %div3A_152 = arith.divf %reduce_sum3A_150, %div3A_151 : f32
      %reshape3A_153 = vector.broadcast %div3A_152 : f32 to vector<1x1xf32>
      %swap3A_154 = arith.constant 0 : index
      %swap3A_155 = arith.constant 0 : index
      %swap3A_156 = vector.load %arg9[%swap3A_154, %swap3A_155] : memref<1x1xf32, #tpu.memory_space<vmem>>, vector<1x1xf32>
      tpu.vector_store %arg9[%swap3A_154, %swap3A_155], %reshape3A_153 {strides = array<i32>} : memref<1x1xf32, #tpu.memory_space<vmem>>, vector<1x1xf32>,
    } else {
    }
    %get3A = arith.constant 0 : index
    %get3A_2 = arith.constant 0 : index
    %get3A_3 = vector.load %arg6[%get3A, %get3A_2] : memref<2048x4xf32, #tpu.memory_space<vmem>>, vector<2048x4xf32>
    %get3A_4 = arith.constant 0 : index
    %get3A_5 = arith.constant 0 : index
    %get3A_6 = vector.load %arg1[%get3A_4, %get3A_5] : memref<2048x128xf32, #tpu.memory_space<vmem>>, vector<2048x128xf32>
    %slice3A = vector.extract_strided_slice %get3A_3 {offsets = [0, 0], sizes = [2048, 1], strides = [1, 1]} : vector<2048x4xf32> to vector<2048x1xf32>
    %gt3A = arith.constant 5.000000e-01 : f32
    %gt3A_7 = vector.broadcast %gt3A : f32 to vector<2048x1xf32>
    %gt3A_8 = arith.cmpf ogt, %slice3A, %gt3A_7 : vector<2048x1xf32>
    %slice3A_9 = vector.extract_strided_slice %get3A_6 {offsets = [0, 64], sizes = [2048, 64], strides = [1, 1]} : vector<2048x128xf32> to vector<2048x64xf32>
    %slice3A_10 = vector.extract_strided_slice %get3A_6 {offsets = [0, 0], sizes = [2048, 64], strides = [1, 1]} : vector<2048x128xf32> to vector<2048x64xf32>
    %broadcast_in_dim3A = vector.shape_cast %gt3A_8 : vector<2048x1xi1> to vector<2048x1xi1>
    %broadcast_in_dim3A_11 = vector.broadcast %broadcast_in_dim3A : vector<2048x1xi1> to vector<2048x64xi1>
    %select_n3A = arith.select %broadcast_in_dim3A_11, %slice3A_9, %slice3A_10 : vector<2048x64xi1>, vector<2048x64xf32>
    %get3A_12 = arith.constant 0 : index
    %get3A_13 = arith.constant 0 : index
    %get3A_14 = vector.load %arg2[%get3A_12, %get3A_13] : memref<2048x128xf32, #tpu.memory_space<vmem>>, vector<2048x128xf32>
    %slice3A_15 = vector.extract_strided_slice %get3A_3 {offsets = [0, 1], sizes = [2048, 1], strides = [1, 1]} : vector<2048x4xf32> to vector<2048x1xf32>
    %gt3A_16 = arith.constant 5.000000e-01 : f32
    %gt3A_17 = vector.broadcast %gt3A_16 : f32 to vector<2048x1xf32>
    %gt3A_18 = arith.cmpf ogt, %slice3A_15, %gt3A_17 : vector<2048x1xf32>
    %slice3A_19 = vector.extract_strided_slice %get3A_14 {offsets = [0, 64], sizes = [2048, 64], strides = [1, 1]} : vector<2048x128xf32> to vector<2048x64xf32>
    %slice3A_20 = vector.extract_strided_slice %get3A_14 {offsets = [0, 0], sizes = [2048, 64], strides = [1, 1]} : vector<2048x128xf32> to vector<2048x64xf32>
    %broadcast_in_dim3A_21 = vector.shape_cast %gt3A_18 : vector<2048x1xi1> to vector<2048x1xi1>
    %broadcast_in_dim3A_22 = vector.broadcast %broadcast_in_dim3A_21 : vector<2048x1xi1> to vector<2048x64xi1>
    %select_n3A_23 = arith.select %broadcast_in_dim3A_22, %slice3A_19, %slice3A_20 : vector<2048x64xi1>, vector<2048x64xf32>
    %get3A_24 = arith.constant 0 : index
    %get3A_25 = arith.constant 0 : index
    %get3A_26 = vector.load %arg3[%get3A_24, %get3A_25] : memref<2048x128xf32, #tpu.memory_space<vmem>>, vector<2048x128xf32>
    %slice3A_27 = vector.extract_strided_slice %get3A_3 {offsets = [0, 2], sizes = [2048, 1], strides = [1, 1]} : vector<2048x4xf32> to vector<2048x1xf32>
    %gt3A_28 = arith.constant 5.000000e-01 : f32
    %gt3A_29 = vector.broadcast %gt3A_28 : f32 to vector<2048x1xf32>
    %gt3A_30 = arith.cmpf ogt, %slice3A_27, %gt3A_29 : vector<2048x1xf32>
    %slice3A_31 = vector.extract_strided_slice %get3A_26 {offsets = [0, 64], sizes = [2048, 64], strides = [1, 1]} : vector<2048x128xf32> to vector<2048x64xf32>
    %slice3A_32 = vector.extract_strided_slice %get3A_26 {offsets = [0, 0], sizes = [2048, 64], strides = [1, 1]} : vector<2048x128xf32> to vector<2048x64xf32>
    %broadcast_in_dim3A_33 = vector.shape_cast %gt3A_30 : vector<2048x1xi1> to vector<2048x1xi1>
    %broadcast_in_dim3A_34 = vector.broadcast %broadcast_in_dim3A_33 : vector<2048x1xi1> to vector<2048x64xi1>
    %select_n3A_35 = arith.select %broadcast_in_dim3A_34, %slice3A_31, %slice3A_32 : vector<2048x64xi1>, vector<2048x64xf32>
    %get3A_36 = arith.constant 0 : index
    %get3A_37 = arith.constant 0 : index
    %get3A_38 = vector.load %arg4[%get3A_36, %get3A_37] : memref<2048x128xf32, #tpu.memory_space<vmem>>, vector<2048x128xf32>
    %slice3A_39 = vector.extract_strided_slice %get3A_3 {offsets = [0, 3], sizes = [2048, 1], strides = [1, 1]} : vector<2048x4xf32> to vector<2048x1xf32>
    %gt3A_40 = arith.constant 5.000000e-01 : f32
    %gt3A_41 = vector.broadcast %gt3A_40 : f32 to vector<2048x1xf32>
    %gt3A_42 = arith.cmpf ogt, %slice3A_39, %gt3A_41 : vector<2048x1xf32>
    %slice3A_43 = vector.extract_strided_slice %get3A_38 {offsets = [0, 64], sizes = [2048, 64], strides = [1, 1]} : vector<2048x128xf32> to vector<2048x64xf32>
    %slice3A_44 = vector.extract_strided_slice %get3A_38 {offsets = [0, 0], sizes = [2048, 64], strides = [1, 1]} : vector<2048x128xf32> to vector<2048x64xf32>
    %broadcast_in_dim3A_45 = vector.shape_cast %gt3A_42 : vector<2048x1xi1> to vector<2048x1xi1>
    %broadcast_in_dim3A_46 = vector.broadcast %broadcast_in_dim3A_45 : vector<2048x1xi1> to vector<2048x64xi1>
    %select_n3A_47 = arith.select %broadcast_in_dim3A_46, %slice3A_43, %slice3A_44 : vector<2048x64xi1>, vector<2048x64xf32>
    %get3A_48 = arith.constant 0 : index
    %get3A_49 = arith.constant 0 : index
    %get3A_50 = vector.load %arg5[%get3A_48, %get3A_49] : memref<2048x128xf32, #tpu.memory_space<vmem>>, vector<2048x128xf32>
    %slice3A_51 = vector.extract_strided_slice %get3A_3 {offsets = [0, 3], sizes = [2048, 1], strides = [1, 1]} : vector<2048x4xf32> to vector<2048x1xf32>
    %gt3A_52 = arith.constant 5.000000e-01 : f32
    %gt3A_53 = vector.broadcast %gt3A_52 : f32 to vector<2048x1xf32>
    %gt3A_54 = arith.cmpf ogt, %slice3A_51, %gt3A_53 : vector<2048x1xf32>
    %slice3A_55 = vector.extract_strided_slice %get3A_50 {offsets = [0, 64], sizes = [2048, 64], strides = [1, 1]} : vector<2048x128xf32> to vector<2048x64xf32>
    %slice3A_56 = vector.extract_strided_slice %get3A_50 {offsets = [0, 0], sizes = [2048, 64], strides = [1, 1]} : vector<2048x128xf32> to vector<2048x64xf32>
    %broadcast_in_dim3A_57 = vector.shape_cast %gt3A_54 : vector<2048x1xi1> to vector<2048x1xi1>
    %broadcast_in_dim3A_58 = vector.broadcast %broadcast_in_dim3A_57 : vector<2048x1xi1> to vector<2048x64xi1>
    %select_n3A_59 = arith.select %broadcast_in_dim3A_58, %slice3A_55, %slice3A_56 : vector<2048x64xi1>, vector<2048x64xf32>
    %mul3A = arith.mulf %select_n3A_59, %select_n3A_59 : vector<2048x64xf32>
    %reduce_sum3A = arith.constant dense<0.000000e+00> : vector<2048xf32>
    %reduce_sum3A_60 = vector.multi_reduction <add>, %mul3A, %reduce_sum3A [1] : vector<2048x64xf32> to vector<2048xf32>
    %broadcast_in_dim3A_61 = vector.shape_cast %reduce_sum3A_60 : vector<2048xf32> to vector<2048x1xf32>
    %max3A = arith.constant 1.000000e-24 : f32
    %max3A_62 = vector.broadcast %max3A : f32 to vector<2048x1xf32>
    %max3A_63 = arith.maximumf %broadcast_in_dim3A_61, %max3A_62 : vector<2048x1xf32>
    %mul3A_64 = arith.mulf %select_n3A_59, %select_n3A : vector<2048x64xf32>
    %reduce_sum3A_65 = arith.constant dense<0.000000e+00> : vector<2048xf32>
    %reduce_sum3A_66 = vector.multi_reduction <add>, %mul3A_64, %reduce_sum3A_65 [1] : vector<2048x64xf32> to vector<2048xf32>
    %broadcast_in_dim3A_67 = vector.shape_cast %reduce_sum3A_66 : vector<2048xf32> to vector<2048x1xf32>
    %mul3A_68 = arith.mulf %select_n3A_59, %select_n3A_23 : vector<2048x64xf32>
    %reduce_sum3A_69 = arith.constant dense<0.000000e+00> : vector<2048xf32>
    %reduce_sum3A_70 = vector.multi_reduction <add>, %mul3A_68, %reduce_sum3A_69 [1] : vector<2048x64xf32> to vector<2048xf32>
    %broadcast_in_dim3A_71 = vector.shape_cast %reduce_sum3A_70 : vector<2048xf32> to vector<2048x1xf32>
    %mul3A_72 = arith.mulf %select_n3A_59, %select_n3A_35 : vector<2048x64xf32>
    %reduce_sum3A_73 = arith.constant dense<0.000000e+00> : vector<2048xf32>
    %reduce_sum3A_74 = vector.multi_reduction <add>, %mul3A_72, %reduce_sum3A_73 [1] : vector<2048x64xf32> to vector<2048xf32>
    %broadcast_in_dim3A_75 = vector.shape_cast %reduce_sum3A_74 : vector<2048xf32> to vector<2048x1xf32>
    %sub3A = arith.subf %select_n3A, %select_n3A_23 : vector<2048x64xf32>
    %add3A = arith.addf %sub3A, %select_n3A_47 : vector<2048x64xf32>
    %sub3A_76 = arith.subf %broadcast_in_dim3A_67, %broadcast_in_dim3A_71 : vector<2048x1xf32>
    %div3A = arith.divf %sub3A_76, %max3A_63 : vector<2048x1xf32>
    %mul3A_77 = vector.broadcast %div3A : vector<2048x1xf32> to vector<2048x64xf32>
    %mul3A_78 = arith.mulf %mul3A_77, %select_n3A_59 : vector<2048x64xf32>
    %sub3A_79 = arith.subf %add3A, %mul3A_78 : vector<2048x64xf32>
    %sub3A_80 = arith.subf %select_n3A, %select_n3A_35 : vector<2048x64xf32>
    %add3A_81 = arith.addf %sub3A_80, %select_n3A_47 : vector<2048x64xf32>
    %sub3A_82 = arith.subf %broadcast_in_dim3A_67, %broadcast_in_dim3A_75 : vector<2048x1xf32>
    %div3A_83 = arith.divf %sub3A_82, %max3A_63 : vector<2048x1xf32>
    %mul3A_84 = vector.broadcast %div3A_83 : vector<2048x1xf32> to vector<2048x64xf32>
    %mul3A_85 = arith.mulf %mul3A_84, %select_n3A_59 : vector<2048x64xf32>
    %sub3A_86 = arith.subf %add3A_81, %mul3A_85 : vector<2048x64xf32>
    %mul3A_87 = arith.mulf %sub3A_79, %sub3A_79 : vector<2048x64xf32>
    %reduce_sum3A_88 = arith.constant dense<0.000000e+00> : vector<2048xf32>
    %reduce_sum3A_89 = vector.multi_reduction <add>, %mul3A_87, %reduce_sum3A_88 [1] : vector<2048x64xf32> to vector<2048xf32>
    %max3A_90 = arith.constant 9.99999991E-38 : f32
    %max3A_91 = vector.broadcast %max3A_90 : f32 to vector<2048xf32>
    %max3A_92 = arith.maximumf %reduce_sum3A_89, %max3A_91 : vector<2048xf32>
    %rsqrt3A = math.rsqrt %max3A_92 : vector<2048xf32>
    %mul3A_93 = arith.mulf %reduce_sum3A_89, %rsqrt3A : vector<2048xf32>
    %mul3A_94 = arith.mulf %sub3A_86, %sub3A_86 : vector<2048x64xf32>
    %reduce_sum3A_95 = arith.constant dense<0.000000e+00> : vector<2048xf32>
    %reduce_sum3A_96 = vector.multi_reduction <add>, %mul3A_94, %reduce_sum3A_95 [1] : vector<2048x64xf32> to vector<2048xf32>
    %max3A_97 = arith.constant 9.99999991E-38 : f32
    %max3A_98 = vector.broadcast %max3A_97 : f32 to vector<2048xf32>
    %max3A_99 = arith.maximumf %reduce_sum3A_96, %max3A_98 : vector<2048xf32>
    %rsqrt3A_100 = math.rsqrt %max3A_99 : vector<2048xf32>
    %mul3A_101 = arith.mulf %reduce_sum3A_96, %rsqrt3A_100 : vector<2048xf32>
    %sub3A_102 = arith.subf %mul3A_93, %mul3A_101 : vector<2048xf32>
    %add3A_103 = arith.constant 1.000000e+00 : f32
    %add3A_104 = vector.broadcast %add3A_103 : f32 to vector<2048xf32>
    %add3A_105 = arith.addf %sub3A_102, %add3A_104 : vector<2048xf32>
    %max3A_106 = arith.constant 0.000000e+00 : f32
    %max3A_107 = vector.broadcast %max3A_106 : f32 to vector<2048xf32>
    %max3A_108 = arith.maximumf %add3A_105, %max3A_107 : vector<2048xf32>
    %reduce_sum3A_109 = vector.shape_cast %max3A_108 : vector<2048xf32> to vector<1x2048xf32>
    %reduce_sum3A_110 = arith.constant dense<0.000000e+00> : vector<1xf32>
    %reduce_sum3A_111 = vector.multi_reduction <add>, %reduce_sum3A_109, %reduce_sum3A_110 [1] : vector<1x2048xf32> to vector<1xf32>
    %reduce_sum3A_112 = vector.shape_cast %reduce_sum3A_111 : vector<1xf32> to vector<1x1xf32>
    %reduce_sum3A_113 = vector.extract %reduce_sum3A_112[0, 0] : f32 from vector<1x1xf32>
    %get3A_114 = arith.constant 0 : index
    %get3A_115 = arith.constant 0 : index
    %get3A_116 = vector.load %arg9[%get3A_114, %get3A_115] : memref<1x1xf32, #tpu.memory_space<vmem>>, vector<1x1xf32>
    %div3A_117 = arith.constant 1.638400e+04 : f32
    %div3A_118 = arith.divf %reduce_sum3A_113, %div3A_117 : f32
    %reshape3A = vector.broadcast %div3A_118 : f32 to vector<1x1xf32>
    %add3A_119 = arith.addf %get3A_116, %reshape3A : vector<1x1xf32>
    %swap3A = arith.constant 0 : index
    %swap3A_120 = arith.constant 0 : index
    %swap3A_121 = vector.load %arg9[%swap3A, %swap3A_120] : memref<1x1xf32, #tpu.memory_space<vmem>>, vector<1x1xf32>
    tpu.vector_store %arg9[%swap3A, %swap3A_120], %add3A_119 {strides = array<i32>} : memref<1x1xf32, #tpu.memory_space<vmem>>, vector<1x1xf32>,
    return
  }
  func.func @transform_0(%arg0: i32) -> (i32, i32) {
    %c0_i32 = arith.constant 0 : i32
    %c0_i32_0 = arith.constant 0 : i32
    return %arg0, %c0_i32 : i32, i32
  }
  func.func @transform_1(%arg0: i32) -> (i32, i32) {
    %c0_i32 = arith.constant 0 : i32
    %c0_i32_0 = arith.constant 0 : i32
    return %arg0, %c0_i32 : i32, i32
  }
  func.func @transform_2(%arg0: i32) -> (i32, i32) {
    %c0_i32 = arith.constant 0 : i32
    %c0_i32_0 = arith.constant 0 : i32
    return %arg0, %c0_i32 : i32, i32
  }
  func.func @transform_3(%arg0: i32) -> (i32, i32) {
    %c0_i32 = arith.constant 0 : i32
    %c0_i32_0 = arith.constant 0 : i32
    return %arg0, %c0_i32 : i32, i32
  }
  func.func @transform_4(%arg0: i32) -> (i32, i32) {
    %c0_i32 = arith.constant 0 : i32
    %c0_i32_0 = arith.constant 0 : i32
    return %arg0, %c0_i32 : i32, i32
  }
  func.func @transform_5(%arg0: i32) -> (i32, i32) {
    %c0_i32 = arith.constant 0 : i32
    %c0_i32_0 = arith.constant 0 : i32
    return %arg0, %c0_i32 : i32, i32
  }
  func.func @transform_6(%arg0: i32) -> (i32, i32) {
    %c0_i32 = arith.constant 0 : i32
    %c0_i32_0 = arith.constant 0 : i32
    %c0_i32_1 = arith.constant 0 : i32
    return %c0_i32, %c0_i32_0 : i32, i32
  }
  func.func @transform_7(%arg0: i32) -> (i32, i32) {
    %c0_i32 = arith.constant 0 : i32
    %c0_i32_0 = arith.constant 0 : i32
    %c0_i32_1 = arith.constant 0 : i32
    return %c0_i32, %c0_i32_0 : i32, i32
  }
  func.func @transform_8(%arg0: i32) -> (i32, i32) {
    %c0_i32 = arith.constant 0 : i32
    %c0_i32_0 = arith.constant 0 : i32
    %c0_i32_1 = arith.constant 0 : i32
    return %c0_i32, %c0_i32_0 : i32, i32
  }
}

</mosaic_0001>

<sc_bundles>
// kernel: kernel.5.cloned.1.call-start
scs
__scs_entry_jumppad:
0x0: {  	(pc) =	sbr.rel $0x88, $3  }
0x1: {  	(tag) =	ssettag $0x0;
	lr =	simm.s32 $0x1  }
0x2: {  	[smem:$0x3F9A] =	sst lr;
	_ =	strace $0xD0000000  }
0x3: {  	_ = 	snop  }
0x4: {  	_ = 	snop  }
0x5: {  	_ = 	snop  }
0x6: {  	_ = 	snop  }
0x7: {  	_ = 	snop  }
__scs_overlays_trampoline_lowered:
0x8: {  	[smem:$0x3FA9] =	sst s0  }
0x9: {  	[smem:$0x3FAA] =	sst s1  }
0xa: {  	[smem:$0x3FAB] =	sst s2  }
0xb: {  	[smem:$0x3FAC] =	sst s3  }
0xc: {  	[smem:$0x3FAD] =	sst s4  }
0xd: {  	[smem:$0x3FAE] =	sst s5  }
0xe: {  	[smem:$0x3FAF] =	sst s6  }
0xf: {  	[smem:$0x3FB0] =	sst s7  }
0x10: {  	[smem:$0x3FB1] =	sst s8  }
0x11: {  	[smem:$0x3FB2] =	sst s9;
	s0 =	simm.s32 @!p0 $0x0  }
0x12: {  	s1 =	sld [smem:$0x3F98];
	s0 =	simm.s32 @p0 $0x1  }
0x13: {  	[smem:$0x3FB3] =	sst s0;
	s0 =	simm.s32 @!p1 $0x0  }
0x14: {  	s2 =	sld [smem:$0x3F97];
	s0 =	simm.s32 @p1 $0x1  }
0x15: {  	[smem:$0x3FB4] =	sst s0;
	s0 =	simm.s32 @!p2 $0x0  }
0x16: {  	s3 =	sld [smem:$0x3FDB];
	s0 =	simm.s32 @p2 $0x1  }
0x17: {  	s4 =	simm.s32 $0x1BF5;
	[smem:$0x3FB6] =	sst s0  }
0x18: {  	s0 =	sld [smem:$0x3F99];
	_ =	swait.ge [sflag:s4], $0x0  }
0x19: {  	s7 =	sld [smem:$0x3F9A]  }
0x1a: {  	s8 =	sadd.s32 $0xFFFFE003, lr  }
0x1b: {  	s9 =	sadd.s32 $0xFFFFFEF7, lr;
	s5 =	simm.s32 $0xFFFFFFFF;
	p2 =	slt.u32 s8, $0xFFFFF086  }
0x1c: {  	p1 =	slt.u32 s9, $0xF7A;
	s5 =	simm.s32 @!p2 $0x0  }
0x1d: {  	s5 =	simm.s32 @p1 $0x1;
	p0 =	seq.s32 s7, s2  }
0x1e: {  	s7 =	smul.u32 @!p0 $0xF7A, s2;
	p2 =	seq.s32 @!p0 s5, $0x0  }
0x1f: {  	s9 =	smul.u32 $0xF7A, s1;
	s8 =	simm.s32 @!p0 $0x1BF5;
	p2 =	por !p2, p0  }
0x20: {  	[sflag:s8] =	ssyncset.s32 @!p0 $0xFFFFF086;
	s6 =	sadd.s32 @!p0 s3, s7;
	s7 =	simm.s32 @!p0 $0x108  }
0x21: {  	s3 =	sadd.s32 s3, s9;
	s6 =	sadd.s32 @!p0 $0x88, s6;
	s7 =	simm.s32 @p2 $0x1082  }
0x22: {  	[simem:s7], [sflag:s8] =	dma.local @!p0 [hbm:s6], $0xF7A  }
0x23: {  	s9 =	sor.u32 $0xD0000000, s2;
	s6 =	simm.s32 $0x108;
	_ =	swait.ge @!p0 [sflag:s8], $0x0  }
0x24: {  	s3 =	sadd.s32 $0x88, s3;
	s6 =	simm.s32 @!p1 $0x1082;
	[sflag:s4] =	ssyncset.s32 $0xFFFFF086  }
0x25: {  	[simem:s6], [sflag:s4] =	dma.local [hbm:s3], $0xF7A  }
0x26: {  	[smem:$0x3F9A] =	sst s1;
	(tag) =	ssettag s2;
	_ =	strace s9  }
0x27: {  	s1 =	sld [smem:$0x3FAA]  }
0x28: {  	s2 =	sld [smem:$0x3FAB]  }
0x29: {  	s4 =	sld [smem:$0x3FAD]  }
0x2a: {  	p0 =	seq.s32 s5, $0x0;
	s5 =	sld [smem:$0x3FAE]  }
0x2b: {  	s6 =	sld [smem:$0x3FAF]  }
0x2c: {  	s7 =	sld [smem:$0x3FB0]  }
0x2d: {  	s3 =	simm.s32 $0x108;
	s8 =	sld [smem:$0x3FB1]  }
0x2e: {  	s3 =	simm.s32 @!p0 $0x1082;
	s9 =	sld [smem:$0x3FB2]  }
0x2f: {  	lr =	sadd.s32 s0, s3;
	s0 =	sld [smem:$0x3FA9]  }
0x30: {  	s3 =	sld [smem:$0x3FAC]  }
0x31: {  	[smem:$0x3FB5] =	sst s10  }
0x32: {  	s10 =	sld [smem:$0x3FB3];
	_ =	sdelay $0x3  }
0x33: {  	p0 =	seq.s32 s10, $0x1;
	s10 =	sld [smem:$0x3FB5];
	_ =	sdelay $0x3  }
0x34: {  	[smem:$0x3FB5] =	sst s10  }
0x35: {  	s10 =	sld [smem:$0x3FB4];
	_ =	sdelay $0x3  }
0x36: {  	p1 =	seq.s32 s10, $0x1;
	s10 =	sld [smem:$0x3FB5];
	_ =	sdelay $0x3  }
0x37: {  	[smem:$0x3FB5] =	sst s10  }
0x38: {  	s10 =	sld [smem:$0x3FB6]  }
0x39: {  	_ = 	snop;
	(pc) =	sbr.ind lr, $3  }
0x3a: {  	_ = 	snop  }
0x3b: {  	_ = 	snop  }
0x3c: {  	p2 =	seq.s32 s10, $0x1;
	s10 =	sld [smem:$0x3FB5]  }
0x3d: {  	_ =	shalt  }
0x3e: {  	_ =	shalt  }
0x3f: {  	_ =	shalt  }
0x40: {  	_ =	shalt  }
0x41: {  	_ =	shalt  }
0x42: {  	_ =	shalt  }
0x43: {  	_ =	shalt  }
0x44: {  	_ =	shalt  }
0x45: {  	_ =	shalt  }
0x46: {  	_ =	shalt  }
0x47: {  	_ =	shalt  }
0x48: {  	_ =	shalt  }
0x49: {  	_ =	shalt  }
0x4a: {  	_ =	shalt  }
0x4b: {  	_ =	shalt  }
0x4c: {  	_ =	shalt  }
0x4d: {  	_ =	shalt  }
0x4e: {  	_ =	shalt  }
0x4f: {  	_ =	shalt  }
0x50: {  	_ =	shalt  }
0x51: {  	_ =	shalt  }
0x52: {  	_ =	shalt  }
0x53: {  	_ =	shalt  }
0x54: {  	_ =	shalt  }
0x55: {  	_ =	shalt  }
0x56: {  	_ =	shalt  }
0x57: {  	_ =	shalt  }
0x58: {  	_ =	shalt  }
0x59: {  	_ =	shalt  }
0x5a: {  	_ =	shalt  }
0x5b: {  	_ =	shalt  }
0x5c: {  	_ =	shalt  }
0x5d: {  	_ =	shalt  }
0x5e: {  	_ =	shalt  }
0x5f: {  	_ =	shalt  }
0x60: {  	_ =	shalt  }
0x61: {  	_ =	shalt  }
0x62: {  	_ =	shalt  }
0x63: {  	_ =	shalt  }
0x64: {  	_ =	shalt  }
0x65: {  	_ =	shalt  }
0x66: {  	_ =	shalt  }
0x67: {  	_ =	shalt  }
0x68: {  	_ =	shalt  }
0x69: {  	_ =	shalt  }
0x6a: {  	_ =	shalt  }
0x6b: {  	_ =	shalt  }
0x6c: {  	_ =	shalt  }
0x6d: {  	_ =	shalt  }
0x6e: {  	_ =	shalt  }
0x6f: {  	_ =	shalt  }
0x70: {  	_ =	shalt  }
0x71: {  	_ =	shalt  }
0x72: {  	_ =	shalt  }
0x73: {  	_ =	shalt  }
0x74: {  	_ =	shalt  }
0x75: {  	_ =	shalt  }
0x76: {  	_ =	shalt  }
0x77: {  	_ =	shalt  }
0x78: {  	_ =	shalt  }
0x79: {  	_ =	shalt  }
0x7a: {  	_ =	shalt  }
0x7b: {  	_ =	shalt  }
0x7c: {  	_ =	shalt  }
0x7d: {  	_ =	shalt  }
0x7e: {  	_ =	shalt  }
0x7f: {  	_ =	shalt  }
0x80: {  	_ =	shalt  }
0x81: {  	_ =	shalt  }
0x82: {  	_ =	shalt  }
0x83: {  	_ =	shalt  }
0x84: {  	_ =	shalt  }
0x85: {  	_ =	shalt  }
0x86: {  	_ =	shalt  }
0x87: {  	_ =	shalt  }
.Lfunc_end0:
.L_simem_size_0:
called_computation_lowered:
.L_overlay_start_0:
0x88: {  	s2 =	sld [smem:$0x3FD9]  }
0x89: {  	s3 =	sld [smem:$0x3FFE];
	_ =	sdelay $0x1  }
0x8a: {  	s1 =	srdreg.scid  }
0x8b: {  	s0 =	sand.u32 $0x1, s1  }
0x8c: {  	s16 =	sshll.u32 s0, $0xA;
	s2 =	sadd.s32 s3, s2  }
0x8d: {  	s2 =	sadd.s32 s2, s16  }
0x8e: {  	[smem:$0x3FC1] =	sst s2  }
0x8f: {  	_ = 	snop  }
0x90: {  	(tm) =	ssettm $0x1  }
0x91: {  	s17 =	sld [smem:$0x3FFB];
	_ =	sdelay $0x3  }
0x92: {  	_ =	strace s17  }
0x93: {  	s2 =	sld [smem:$0x3FFC];
	_ =	sdelay $0x3  }
0x94: {  	_ =	strace s2  }
0x95: {  	s2 =	sld [smem:$0x3FFD];
	_ =	sdelay $0x3  }
0x96: {  	_ =	strace s2  }
0x97: {  	_ =	strace $0x8FFFFFFF  }
0x98: {  	s18 =	sld [smem:$0x3FDB];
	_ =	sdelay $0x1  }
0x99: {  	s19 =	simm.s32 $_scs_section_size  }
0x9a: {  	s4 =	simm.s32 $_size__tile_overlayer_lowered;
	s5 =	simm.s32 $_tile_overlayer_lowered  }
0x9b: {  	s22 =	simm.s32 $0x1BFF;
	s21 =	sshll.u32 s5, $0x1;
	s2 =	sadd.s32 s19, s18  }
0x9c: {  	s6 =	simm.s32 $0x0;
	s20 =	sshll.u32 s4, $0x1;
	s4 =	sadd.s32 s21, s2  }
0x9d: {  	[timem:s6], [sflag:s22] =	dma.local [hbm:s4], s20  }
0x9e: {  	_ =	swait.ge [sflag:s22], s20  }
0x9f: {  	s3 =	ssub.s32 $0x0, s20;
	[sflag:s22] =	ssyncset.done $0x0  }
0xa0: {  	[sflag:s22] =	ssyncadd.s32 s3;
	_ =	sdelay $0x1  }
0xa1: {  	s23 =	simm.s32 $0x1B8B  }
0xa2: {  	_ =	swait.ge [sflag:s23], $0x1  }
0xa3: {  	[sflag:s23] =	ssyncset.done $0x0  }
0xa4: {  	s25 =	simm.s32 $0x1B8E;
	s24 =	sld [smem:$0x3FFE];
	[sflag:s23] =	ssyncadd.s32 $0xFFFFFFFF  }
0xa5: {  	s26 =	simm.s32 $execute0_lowered;
	[smem:$0x3FD2] =	sst s25  }
0xa6: {  	s4 =	sshll.u32 s26, $0x1;
	_ =	strace $0x80000046;
	[dreg:$0x1] =	wrdreg $0xFFFFFFFF  }
0xa7: {  	s28 =	simm.s32 $_size_execute0_lowered;
	s2 =	sadd.s32 s2, s4;
	[dreg:$0x0] =	wrdreg $0x0  }
0xa8: {  	s4 =	sshll.u32 s28, $0x1;
	[dreg:$0x2] =	wrdreg s2  }
0xa9: {  	[dreg:$0x3] =	wrdreg s4  }
0xaa: {  	[dreg:$0x4] =	wrdreg $0xC0  }
0xab: {  	_ =	task [dreg:s6], $0x5FFFF  }
0xac: {  	[dreg:$0x1] =	wrdreg $0xFFFFFFFF  }
0xad: {  	[dreg:$0x0] =	wrdreg $0x60  }
0xae: {  	[dreg:$0x2] =	wrdreg s24  }
0xaf: {  	[dreg:$0x3] =	wrdreg $0x9  }
0xb0: {  	_ =	task.clear_ibuf [dreg:s6], $0x4FFFF;
	_ =	strace $0x90000046  }
0xb1: {  	s29 =	simm.s32 $0x9;
	_ =	strace $0x80000048  }
0xb2: {  	_ =	swait.ge [sflag:s29], $0x1  }
0xb3: {  	[sflag:s29] =	ssyncadd.s32 $0xFFFFFFFF  }
0xb4: {  	_ =	strace $0x90000048  }
0xb5: {  	_ =	sfence  }
0xb6: {  	s30 =	sld [smem:$0x0];
	_ =	sdelay $0x2  }
0xb7: {  	s31 =	sshll.u32 s1, $0xD;
	s1 =	sshrl.u32 s1, $0x2  }
0xb8: {  	s3 =	sand.u32 $0x4000, s31;
	s1 =	sadd.s32 s1, s30  }
0xb9: {  	s0 =	sor.u32 s3, s0;
	s1 =	sshll.u32 s1, $0x11  }
0xba: {  	s0 =	sor.u32 s1, s0  }
0xbb: {  	s0 =	sadd.s32 $0x8F2B, s0  }
0xbc: {  	[sflag:s0] =	ssyncadd.remote.s32 $0x1  }
0xbd: {  	_ =	sfence.sel $0xFFFF  }
0xbe: {  	[dreg:$0x0] =	wrdreg $0xFFFFFFFF;
	(pc) =	sbr.abs _section_cstart, $3  }
0xbf: {  	[dreg:$0x1] =	wrdreg $0xFFFFFFFF  }
0xc0: {  	_ =	task.clear_ibuf [dreg:s6], $0x2FFFF;
	_ =	strace $0x9FFFFFFF  }
0xc1: {  	(tm) =	ssettm $0x7FFFFFFF  }
tec
execute0_lowered:
.L_overlay_start_1:
0x0: {  	(tag) =	ssettag $0x1  }
0x1: {  	s1 =	srdreg.scid  }
0x2: {  	s0 =	stileid.u32;
	s23 =	sand.u32 $0x1, s1  }
0x3: {  	s22 =	rddreg [dreg:$0x0];
	s3 =	sshll.u32 s0, $0x7;
	s4 =	sshll.u32 s23, $0x6  }
0x4: {  	s2 =	simm.s32 $0x0;
	s1 =	rddreg [dreg:$0x1];
	s3 =	sor.u32 s4, s3  }
0x5: {  	[smem:$0x7FF] =	sst s2;
	s19 =	sadd.s32 s3, s22  }
0x6: {  	_ =	strace $0x80000047;
	s3 =	simm.s32 $0x2;
	s4 =	sadd.s32 $0xB400, s19  }
0x7: {  	[tilespmem:s2], [sflag:$0x2] =	stream.linear.gather [hbm4b:s4+s2], $0x200, $0x38;
	[tilespmem:$0x10200] =	vst v63  }
0x8: {  	_ =	swait.ge [sflag:s3], $0x200  }
0x9: {  	s6 =	simm.s32 $0x80;
	[sflag:s3] =	ssyncset.done $0x0  }
0xa: {  	s7 =	simm.s32 $0x200;
	s5 =	sadd.s32 $0xF45800, s22;
	[sflag:s3] =	ssyncadd.s32 $0xFFFFFE00  }
0xb: {  	[tilespmem:s7], [sflag:$0x1] =	stream.indirect.gather [hbm4b:s5+s6], $0x80, s2, s6, $0xb8;
	[tilespmem:$0x10200] =	vst v63  }
0xc: {  	s8 =	simm.s32 $0x4200  }
0xd: {  	[tilespmem:s8], [sflag:$0x1] =	stream.indirect.gather [hbm4b:s5+s6], $0x80, s6, s6, $0xb8;
	[tilespmem:$0x10200] =	vst v63  }
0xe: {  	s9 =	simm.s32 $0x100;
	s10 =	simm.s32 $0x8200  }
0xf: {  	[tilespmem:s10], [sflag:$0x1] =	stream.indirect.gather [hbm4b:s5+s6], $0x80, s9, s6, $0xb8;
	[tilespmem:$0x10200] =	vst v63  }
0x10: {  	s11 =	simm.s32 $0x180;
	s12 =	simm.s32 $0xC200;
	s13 =	simm.s32 $0x1  }
0x11: {  	[tilespmem:s12], [sflag:$0x1] =	stream.indirect.gather [hbm4b:s5+s6], $0x80, s11, s6, $0xb8;
	[tilespmem:$0x10200] =	vst v63  }
0x12: {  	_ =	swait.ge [sflag:s13], $0x4000  }
0x13: {  	[sflag:s13] =	ssyncset.done $0x0  }
0x14: {  	[sflag:s13] =	ssyncadd.s32 $0xFFFFC000  }
0x15: {  	_ =	swait.ge [sflag:s13], $0x4000  }
0x16: {  	[sflag:s13] =	ssyncset.done $0x0  }
0x17: {  	[sflag:s13] =	ssyncadd.s32 $0xFFFFC000  }
0x18: {  	_ =	swait.ge [sflag:s13], $0x4000  }
0x19: {  	[sflag:s13] =	ssyncset.done $0x0  }
0x1a: {  	s14 =	sshll.u32 s0, $0xE;
	s15 =	sshll.u32 s23, $0xD;
	[sflag:s13] =	ssyncadd.s32 $0xFFFFC000  }
0x1b: {  	s14 =	sor.u32 s15, s14;
	_ =	swait.ge [sflag:s13], $0x4000  }
0x1c: {  	s24 =	sadd.s32 s14, s22;
	[sflag:s13] =	ssyncset.done $0x0  }
0x1d: {  	s14 =	sadd.s32 $0x11400, s24;
	[sflag:s13] =	ssyncadd.s32 $0xFFFFC000  }
0x1e: {  	[hbm4b:s14+s2] =	stream.linear.scatter [tilespmem:s7], [sflag:$0x2], $0x10000, $0x38;
	[tilespmem:$0x10200] =	vst v63  }
0x1f: {  	_ =	swait.ge [sflag:s3], $0x10000  }
0x20: {  	[sflag:s3] =	ssyncset.done $0x0  }
0x21: {  	s15 =	sadd.s32 $0xBC00, s19;
	[sflag:s3] =	ssyncadd.s32 $0xFFFF0000  }
0x22: {  	[tilespmem:s2], [sflag:$0x2] =	stream.linear.gather [hbm4b:s15+s2], $0x200, $0x38;
	[tilespmem:$0x10200] =	vst v63  }
0x23: {  	_ =	swait.ge [sflag:s3], $0x200  }
0x24: {  	[sflag:s3] =	ssyncset.done $0x0  }
0x25: {  	[sflag:s3] =	ssyncadd.s32 $0xFFFFFE00  }
0x26: {  	[tilespmem:s7], [sflag:$0x1] =	stream.indirect.gather [hbm4b:s5+s6], $0x80, s2, s6, $0xb8;
	[tilespmem:$0x10200] =	vst v63  }
0x27: {  	_ = 	snop  }
0x28: {  	[tilespmem:s8], [sflag:$0x1] =	stream.indirect.gather [hbm4b:s5+s6], $0x80, s6, s6, $0xb8;
	[tilespmem:$0x10200] =	vst v63  }
0x29: {  	_ = 	snop  }
0x2a: {  	[tilespmem:s10], [sflag:$0x1] =	stream.indirect.gather [hbm4b:s5+s6], $0x80, s9, s6, $0xb8;
	[tilespmem:$0x10200] =	vst v63  }
0x2b: {  	_ = 	snop  }
0x2c: {  	[tilespmem:s12], [sflag:$0x1] =	stream.indirect.gather [hbm4b:s5+s6], $0x80, s11, s6, $0xb8;
	[tilespmem:$0x10200] =	vst v63  }
0x2d: {  	_ =	swait.ge [sflag:s13], $0x4000  }
0x2e: {  	[sflag:s13] =	ssyncset.done $0x0  }
0x2f: {  	[sflag:s13] =	ssyncadd.s32 $0xFFFFC000  }
0x30: {  	_ =	swait.ge [sflag:s13], $0x4000  }
0x31: {  	[sflag:s13] =	ssyncset.done $0x0  }
0x32: {  	[sflag:s13] =	ssyncadd.s32 $0xFFFFC000  }
0x33: {  	_ =	swait.ge [sflag:s13], $0x4000  }
0x34: {  	[sflag:s13] =	ssyncset.done $0x0  }
0x35: {  	[sflag:s13] =	ssyncadd.s32 $0xFFFFC000  }
0x36: {  	_ =	swait.ge [sflag:s13], $0x4000  }
0x37: {  	[sflag:s13] =	ssyncset.done $0x0  }
0x38: {  	s16 =	sadd.s32 $0x51400, s24;
	[sflag:s13] =	ssyncadd.s32 $0xFFFFC000  }
0x39: {  	[hbm4b:s16+s2] =	stream.linear.scatter [tilespmem:s7], [sflag:$0x2], $0x10000, $0x38;
	[tilespmem:$0x10200] =	vst v63  }
0x3a: {  	_ =	swait.ge [sflag:s3], $0x10000  }
0x3b: {  	[sflag:s3] =	ssyncset.done $0x0  }
0x3c: {  	s17 =	sadd.s32 $0xC400, s19;
	[sflag:s3] =	ssyncadd.s32 $0xFFFF0000  }
0x3d: {  	[tilespmem:s2], [sflag:$0x2] =	stream.linear.gather [hbm4b:s17+s2], $0x200, $0x38;
	[tilespmem:$0x10200] =	vst v63  }
0x3e: {  	_ =	swait.ge [sflag:s3], $0x200  }
0x3f: {  	[sflag:s3] =	ssyncset.done $0x0  }
0x40: {  	[sflag:s3] =	ssyncadd.s32 $0xFFFFFE00  }
0x41: {  	[tilespmem:s7], [sflag:$0x1] =	stream.indirect.gather [hbm4b:s5+s6], $0x80, s2, s6, $0xb8;
	[tilespmem:$0x10200] =	vst v63  }
0x42: {  	_ = 	snop  }
0x43: {  	[tilespmem:s8], [sflag:$0x1] =	stream.indirect.gather [hbm4b:s5+s6], $0x80, s6, s6, $0xb8;
	[tilespmem:$0x10200] =	vst v63  }
0x44: {  	_ = 	snop  }
0x45: {  	[tilespmem:s10], [sflag:$0x1] =	stream.indirect.gather [hbm4b:s5+s6], $0x80, s9, s6, $0xb8;
	[tilespmem:$0x10200] =	vst v63  }
0x46: {  	_ = 	snop  }
0x47: {  	[tilespmem:s12], [sflag:$0x1] =	stream.indirect.gather [hbm4b:s5+s6], $0x80, s11, s6, $0xb8;
	[tilespmem:$0x10200] =	vst v63  }
0x48: {  	_ =	swait.ge [sflag:s13], $0x4000  }
0x49: {  	[sflag:s13] =	ssyncset.done $0x0  }
0x4a: {  	[sflag:s13] =	ssyncadd.s32 $0xFFFFC000  }
0x4b: {  	_ =	swait.ge [sflag:s13], $0x4000  }
0x4c: {  	[sflag:s13] =	ssyncset.done $0x0  }
0x4d: {  	[sflag:s13] =	ssyncadd.s32 $0xFFFFC000  }
0x4e: {  	_ =	swait.ge [sflag:s13], $0x4000  }
0x4f: {  	[sflag:s13] =	ssyncset.done $0x0  }
0x50: {  	[sflag:s13] =	ssyncadd.s32 $0xFFFFC000  }
0x51: {  	_ =	swait.ge [sflag:s13], $0x4000  }
0x52: {  	[sflag:s13] =	ssyncset.done $0x0  }
0x53: {  	s18 =	sadd.s32 $0x91400, s24;
	[sflag:s13] =	ssyncadd.s32 $0xFFFFC000  }
0x54: {  	[hbm4b:s18+s2] =	stream.linear.scatter [tilespmem:s7], [sflag:$0x2], $0x10000, $0x38;
	[tilespmem:$0x10200] =	vst v63  }
0x55: {  	_ =	swait.ge [sflag:s3], $0x10000  }
0x56: {  	[sflag:s3] =	ssyncset.done $0x0  }
0x57: {  	s19 =	sadd.s32 $0xCC00, s19;
	[sflag:s3] =	ssyncadd.s32 $0xFFFF0000  }
0x58: {  	[tilespmem:s2], [sflag:$0x2] =	stream.linear.gather [hbm4b:s19+s2], $0x200, $0x38;
	[tilespmem:$0x10200] =	vst v63  }
0x59: {  	_ =	swait.ge [sflag:s3], $0x200  }
0x5a: {  	[sflag:s3] =	ssyncset.done $0x0  }
0x5b: {  	s20 =	sadd.s32 $0xD400, s22;
	[sflag:s3] =	ssyncadd.s32 $0xFFFFFE00  }
0x5c: {  	[tilespmem:s7], [sflag:$0x1] =	stream.indirect.gather [hbm4b:s20+s6], $0x80, s2, s6, $0xb8;
	[tilespmem:$0x10200] =	vst v63  }
0x5d: {  	_ = 	snop  }
0x5e: {  	[tilespmem:s8], [sflag:$0x1] =	stream.indirect.gather [hbm4b:s20+s6], $0x80, s6, s6, $0xb8;
	[tilespmem:$0x10200] =	vst v63  }
0x5f: {  	_ = 	snop  }
0x60: {  	[tilespmem:s10], [sflag:$0x1] =	stream.indirect.gather [hbm4b:s20+s6], $0x80, s9, s6, $0xb8;
	[tilespmem:$0x10200] =	vst v63  }
0x61: {  	_ = 	snop  }
0x62: {  	[tilespmem:s12], [sflag:$0x1] =	stream.indirect.gather [hbm4b:s20+s6], $0x80, s11, s6, $0xb8;
	[tilespmem:$0x10200] =	vst v63  }
0x63: {  	_ =	swait.ge [sflag:s13], $0x4000  }
0x64: {  	[sflag:s13] =	ssyncset.done $0x0  }
0x65: {  	[sflag:s13] =	ssyncadd.s32 $0xFFFFC000  }
0x66: {  	_ =	swait.ge [sflag:s13], $0x4000  }
0x67: {  	[sflag:s13] =	ssyncset.done $0x0  }
0x68: {  	[sflag:s13] =	ssyncadd.s32 $0xFFFFC000  }
0x69: {  	_ =	swait.ge [sflag:s13], $0x4000  }
0x6a: {  	[sflag:s13] =	ssyncset.done $0x0  }
0x6b: {  	[sflag:s13] =	ssyncadd.s32 $0xFFFFC000  }
0x6c: {  	_ =	swait.ge [sflag:s13], $0x4000  }
0x6d: {  	[sflag:s13] =	ssyncset.done $0x0  }
0x6e: {  	s21 =	sadd.s32 $0xD1400, s24;
	[sflag:s13] =	ssyncadd.s32 $0xFFFFC000  }
0x6f: {  	[hbm4b:s21+s2] =	stream.linear.scatter [tilespmem:s7], [sflag:$0x2], $0x10000, $0x38;
	[tilespmem:$0x10200] =	vst v63  }
0x70: {  	_ =	swait.ge [sflag:s3], $0x10000  }
0x71: {  	[sflag:s3] =	ssyncset.done $0x0  }
0x72: {  	[sflag:s3] =	ssyncadd.s32 $0xFFFF0000  }
0x73: {  	[tilespmem:s2], [sflag:$0x2] =	stream.linear.gather [hbm4b:s19+s2], $0x200, $0x38;
	[tilespmem:$0x10200] =	vst v63  }
0x74: {  	_ =	swait.ge [sflag:s3], $0x200  }
0x75: {  	[sflag:s3] =	ssyncset.done $0x0  }
0x76: {  	s22 =	sadd.s32 $0xF400, s22;
	[sflag:s3] =	ssyncadd.s32 $0xFFFFFE00  }
0x77: {  	[tilespmem:s7], [sflag:$0x1] =	stream.indirect.gather [hbm4b:s22+s6], $0x80, s2, s6, $0xb8;
	[tilespmem:$0x10200] =	vst v63  }
0x78: {  	_ = 	snop  }
0x79: {  	[tilespmem:s8], [sflag:$0x1] =	stream.indirect.gather [hbm4b:s22+s6], $0x80, s6, s6, $0xb8;
	[tilespmem:$0x10200] =	vst v63  }
0x7a: {  	_ = 	snop  }
0x7b: {  	[tilespmem:s10], [sflag:$0x1] =	stream.indirect.gather [hbm4b:s22+s6], $0x80, s9, s6, $0xb8;
	[tilespmem:$0x10200] =	vst v63  }
0x7c: {  	_ = 	snop  }
0x7d: {  	[tilespmem:s12], [sflag:$0x1] =	stream.indirect.gather [hbm4b:s22+s6], $0x80, s11, s6, $0xb8;
	[tilespmem:$0x10200] =	vst v63  }
0x7e: {  	_ =	swait.ge [sflag:s13], $0x4000  }
0x7f: {  	[sflag:s13] =	ssyncset.done $0x0  }
0x80: {  	[sflag:s13] =	ssyncadd.s32 $0xFFFFC000  }
0x81: {  	_ =	swait.ge [sflag:s13], $0x4000  }
0x82: {  	[sflag:s13] =	ssyncset.done $0x0  }
0x83: {  	s23 =	ssub.s32 $0x2, s23;
	[sflag:s13] =	ssyncadd.s32 $0xFFFFC000  }
0x84: {  	s25 =	sshrl.u32 s23, $0x1;
	_ =	swait.ge [sflag:s13], $0x4000  }
0x85: {  	s25 =	ssub.s32 s23, s25;
	[sflag:s13] =	ssyncset.done $0x0  }
0x86: {  	s31 =	smax.u32 s25, $0x1;
	[sflag:s13] =	ssyncadd.s32 $0xFFFFC000  }
0x87: {  	p0 =	sne.s32 s31, $0x1;
	_ =	swait.ge [sflag:s13], $0x4000  }
.Ltmp0:
0x88: {  	[sflag:s13] =	ssyncset.done $0x0;
	(pc) =	sbr.rel @!p0 .LBB2_2-.Ltmp0, $4  }
0x89: {  	s23 =	sadd.s32 $0x111400, s24;
	[sflag:s13] =	ssyncadd.s32 $0xFFFFC000  }
0x8a: {  	[hbm4b:s23+s2] =	stream.linear.scatter [tilespmem:s7], [sflag:$0x2], $0x10000, $0x38;
	[tilespmem:$0x10200] =	vst v63  }
0x8b: {  	_ =	swait.ge [sflag:s3], $0x10000  }
0x8c: {  	s24 =	sadd.s32 $0xFFFFFFFF, s31;
	[sflag:s3] =	ssyncset.done $0x0  }
.LBB2_1:
0x8d: {  	p0 =	sne.s32 s24, $0x1;
	s24 =	sadd.s32 $0xFFFFFFFF, s24;
	[sflag:s3] =	ssyncadd.s32 $0xFFFF0000  }
0x8e: {  	[tilespmem:s2], [sflag:$0x2] =	stream.linear.gather [hbm4b:s4+s2], $0x200, $0x38;
	[tilespmem:$0x10200] =	vst v63  }
0x8f: {  	_ =	swait.ge [sflag:s3], $0x200  }
0x90: {  	[sflag:s3] =	ssyncset.done $0x0  }
0x91: {  	[sflag:s3] =	ssyncadd.s32 $0xFFFFFE00  }
0x92: {  	[tilespmem:s7], [sflag:$0x1] =	stream.indirect.gather [hbm4b:s5+s6], $0x80, s2, s6, $0xb8;
	[tilespmem:$0x10200] =	vst v63  }
0x93: {  	_ = 	snop  }
0x94: {  	[tilespmem:s8], [sflag:$0x1] =	stream.indirect.gather [hbm4b:s5+s6], $0x80, s6, s6, $0xb8;
	[tilespmem:$0x10200] =	vst v63  }
0x95: {  	_ = 	snop  }
0x96: {  	[tilespmem:s10], [sflag:$0x1] =	stream.indirect.gather [hbm4b:s5+s6], $0x80, s9, s6, $0xb8;
	[tilespmem:$0x10200] =	vst v63  }
0x97: {  	_ = 	snop  }
0x98: {  	[tilespmem:s12], [sflag:$0x1] =	stream.indirect.gather [hbm4b:s5+s6], $0x80, s11, s6, $0xb8;
	[tilespmem:$0x10200] =	vst v63  }
0x99: {  	_ =	swait.ge [sflag:s13], $0x4000  }
0x9a: {  	[sflag:s13] =	ssyncset.done $0x0  }
0x9b: {  	[sflag:s13] =	ssyncadd.s32 $0xFFFFC000  }
0x9c: {  	_ =	swait.ge [sflag:s13], $0x4000  }
0x9d: {  	[sflag:s13] =	ssyncset.done $0x0  }
0x9e: {  	[sflag:s13] =	ssyncadd.s32 $0xFFFFC000  }
0x9f: {  	_ =	swait.ge [sflag:s13], $0x4000  }
0xa0: {  	[sflag:s13] =	ssyncset.done $0x0  }
0xa1: {  	[sflag:s13] =	ssyncadd.s32 $0xFFFFC000  }
0xa2: {  	_ =	swait.ge [sflag:s13], $0x4000  }
0xa3: {  	[sflag:s13] =	ssyncset.done $0x0  }
0xa4: {  	[sflag:s13] =	ssyncadd.s32 $0xFFFFC000  }
0xa5: {  	[hbm4b:s14+s2] =	stream.linear.scatter [tilespmem:s7], [sflag:$0x2], $0x10000, $0x38;
	[tilespmem:$0x10200] =	vst v63  }
0xa6: {  	_ =	swait.ge [sflag:s3], $0x10000  }
0xa7: {  	[sflag:s3] =	ssyncset.done $0x0  }
0xa8: {  	[sflag:s3] =	ssyncadd.s32 $0xFFFF0000  }
0xa9: {  	[tilespmem:s2], [sflag:$0x2] =	stream.linear.gather [hbm4b:s15+s2], $0x200, $0x38;
	[tilespmem:$0x10200] =	vst v63  }
0xaa: {  	_ =	swait.ge [sflag:s3], $0x200  }
0xab: {  	[sflag:s3] =	ssyncset.done $0x0  }
0xac: {  	[sflag:s3] =	ssyncadd.s32 $0xFFFFFE00  }
0xad: {  	[tilespmem:s7], [sflag:$0x1] =	stream.indirect.gather [hbm4b:s5+s6], $0x80, s2, s6, $0xb8;
	[tilespmem:$0x10200] =	vst v63  }
0xae: {  	_ = 	snop  }
0xaf: {  	[tilespmem:s8], [sflag:$0x1] =	stream.indirect.gather [hbm4b:s5+s6], $0x80, s6, s6, $0xb8;
	[tilespmem:$0x10200] =	vst v63  }
0xb0: {  	_ = 	snop  }
0xb1: {  	[tilespmem:s10], [sflag:$0x1] =	stream.indirect.gather [hbm4b:s5+s6], $0x80, s9, s6, $0xb8;
	[tilespmem:$0x10200] =	vst v63  }
0xb2: {  	_ = 	snop  }
0xb3: {  	[tilespmem:s12], [sflag:$0x1] =	stream.indirect.gather [hbm4b:s5+s6], $0x80, s11, s6, $0xb8;
	[tilespmem:$0x10200] =	vst v63  }
0xb4: {  	_ =	swait.ge [sflag:s13], $0x4000  }
0xb5: {  	[sflag:s13] =	ssyncset.done $0x0  }
0xb6: {  	[sflag:s13] =	ssyncadd.s32 $0xFFFFC000  }
0xb7: {  	_ =	swait.ge [sflag:s13], $0x4000  }
0xb8: {  	[sflag:s13] =	ssyncset.done $0x0  }
0xb9: {  	[sflag:s13] =	ssyncadd.s32 $0xFFFFC000  }
0xba: {  	_ =	swait.ge [sflag:s13], $0x4000  }
0xbb: {  	[sflag:s13] =	ssyncset.done $0x0  }
0xbc: {  	[sflag:s13] =	ssyncadd.s32 $0xFFFFC000  }
0xbd: {  	_ =	swait.ge [sflag:s13], $0x4000  }
0xbe: {  	[sflag:s13] =	ssyncset.done $0x0  }
0xbf: {  	[sflag:s13] =	ssyncadd.s32 $0xFFFFC000  }
0xc0: {  	[hbm4b:s16+s2] =	stream.linear.scatter [tilespmem:s7], [sflag:$0x2], $0x10000, $0x38;
	[tilespmem:$0x10200] =	vst v63  }
0xc1: {  	_ =	swait.ge [sflag:s3], $0x10000  }
0xc2: {  	[sflag:s3] =	ssyncset.done $0x0  }
0xc3: {  	[sflag:s3] =	ssyncadd.s32 $0xFFFF0000  }
0xc4: {  	[tilespmem:s2], [sflag:$0x2] =	stream.linear.gather [hbm4b:s17+s2], $0x200, $0x38;
	[tilespmem:$0x10200] =	vst v63  }
0xc5: {  	_ =	swait.ge [sflag:s3], $0x200  }
0xc6: {  	[sflag:s3] =	ssyncset.done $0x0  }
0xc7: {  	[sflag:s3] =	ssyncadd.s32 $0xFFFFFE00  }
0xc8: {  	[tilespmem:s7], [sflag:$0x1] =	stream.indirect.gather [hbm4b:s5+s6], $0x80, s2, s6, $0xb8;
	[tilespmem:$0x10200] =	vst v63  }
0xc9: {  	_ = 	snop  }
0xca: {  	[tilespmem:s8], [sflag:$0x1] =	stream.indirect.gather [hbm4b:s5+s6], $0x80, s6, s6, $0xb8;
	[tilespmem:$0x10200] =	vst v63  }
0xcb: {  	_ = 	snop  }
0xcc: {  	[tilespmem:s10], [sflag:$0x1] =	stream.indirect.gather [hbm4b:s5+s6], $0x80, s9, s6, $0xb8;
	[tilespmem:$0x10200] =	vst v63  }
0xcd: {  	_ = 	snop  }
0xce: {  	[tilespmem:s12], [sflag:$0x1] =	stream.indirect.gather [hbm4b:s5+s6], $0x80, s11, s6, $0xb8;
	[tilespmem:$0x10200] =	vst v63  }
0xcf: {  	_ =	swait.ge [sflag:s13], $0x4000  }
0xd0: {  	[sflag:s13] =	ssyncset.done $0x0  }
0xd1: {  	[sflag:s13] =	ssyncadd.s32 $0xFFFFC000  }
0xd2: {  	_ =	swait.ge [sflag:s13], $0x4000  }
0xd3: {  	[sflag:s13] =	ssyncset.done $0x0  }
0xd4: {  	[sflag:s13] =	ssyncadd.s32 $0xFFFFC000  }
0xd5: {  	_ =	swait.ge [sflag:s13], $0x4000  }
0xd6: {  	[sflag:s13] =	ssyncset.done $0x0  }
0xd7: {  	[sflag:s13] =	ssyncadd.s32 $0xFFFFC000  }
0xd8: {  	_ =	swait.ge [sflag:s13], $0x4000  }
0xd9: {  	[sflag:s13] =	ssyncset.done $0x0  }
0xda: {  	[sflag:s13] =	ssyncadd.s32 $0xFFFFC000  }
0xdb: {  	[hbm4b:s18+s2] =	stream.linear.scatter [tilespmem:s7], [sflag:$0x2], $0x10000, $0x38;
	[tilespmem:$0x10200] =	vst v63  }
0xdc: {  	_ =	swait.ge [sflag:s3], $0x10000  }
0xdd: {  	[sflag:s3] =	ssyncset.done $0x0  }
0xde: {  	[sflag:s3] =	ssyncadd.s32 $0xFFFF0000  }
0xdf: {  	[tilespmem:s2], [sflag:$0x2] =	stream.linear.gather [hbm4b:s19+s2], $0x200, $0x38;
	[tilespmem:$0x10200] =	vst v63  }
0xe0: {  	_ =	swait.ge [sflag:s3], $0x200  }
0xe1: {  	[sflag:s3] =	ssyncset.done $0x0  }
0xe2: {  	[sflag:s3] =	ssyncadd.s32 $0xFFFFFE00  }
0xe3: {  	[tilespmem:s7], [sflag:$0x1] =	stream.indirect.gather [hbm4b:s20+s6], $0x80, s2, s6, $0xb8;
	[tilespmem:$0x10200] =	vst v63  }
0xe4: {  	_ = 	snop  }
0xe5: {  	[tilespmem:s8], [sflag:$0x1] =	stream.indirect.gather [hbm4b:s20+s6], $0x80, s6, s6, $0xb8;
	[tilespmem:$0x10200] =	vst v63  }
0xe6: {  	_ = 	snop  }
0xe7: {  	[tilespmem:s10], [sflag:$0x1] =	stream.indirect.gather [hbm4b:s20+s6], $0x80, s9, s6, $0xb8;
	[tilespmem:$0x10200] =	vst v63  }
0xe8: {  	_ = 	snop  }
0xe9: {  	[tilespmem:s12], [sflag:$0x1] =	stream.indirect.gather [hbm4b:s20+s6], $0x80, s11, s6, $0xb8;
	[tilespmem:$0x10200] =	vst v63  }
0xea: {  	_ =	swait.ge [sflag:s13], $0x4000  }
0xeb: {  	[sflag:s13] =	ssyncset.done $0x0  }
0xec: {  	[sflag:s13] =	ssyncadd.s32 $0xFFFFC000  }
0xed: {  	_ =	swait.ge [sflag:s13], $0x4000  }
0xee: {  	[sflag:s13] =	ssyncset.done $0x0  }
0xef: {  	[sflag:s13] =	ssyncadd.s32 $0xFFFFC000  }
0xf0: {  	_ =	swait.ge [sflag:s13], $0x4000  }
0xf1: {  	[sflag:s13] =	ssyncset.done $0x0  }
0xf2: {  	[sflag:s13] =	ssyncadd.s32 $0xFFFFC000  }
0xf3: {  	_ =	swait.ge [sflag:s13], $0x4000  }
0xf4: {  	[sflag:s13] =	ssyncset.done $0x0  }
0xf5: {  	[sflag:s13] =	ssyncadd.s32 $0xFFFFC000  }
0xf6: {  	[hbm4b:s21+s2] =	stream.linear.scatter [tilespmem:s7], [sflag:$0x2], $0x10000, $0x38;
	[tilespmem:$0x10200] =	vst v63  }
0xf7: {  	_ =	swait.ge [sflag:s3], $0x10000  }
0xf8: {  	[sflag:s3] =	ssyncset.done $0x0  }
0xf9: {  	[sflag:s3] =	ssyncadd.s32 $0xFFFF0000  }
0xfa: {  	[tilespmem:s2], [sflag:$0x2] =	stream.linear.gather [hbm4b:s19+s2], $0x200, $0x38;
	[tilespmem:$0x10200] =	vst v63  }
0xfb: {  	_ =	swait.ge [sflag:s3], $0x200  }
0xfc: {  	[sflag:s3] =	ssyncset.done $0x0  }
0xfd: {  	[sflag:s3] =	ssyncadd.s32 $0xFFFFFE00  }
0xfe: {  	[tilespmem:s7], [sflag:$0x1] =	stream.indirect.gather [hbm4b:s22+s6], $0x80, s2, s6, $0xb8;
	[tilespmem:$0x10200] =	vst v63  }
0xff: {  	_ = 	snop  }
0x100: {  	[tilespmem:s8], [sflag:$0x1] =	stream.indirect.gather [hbm4b:s22+s6], $0x80, s6, s6, $0xb8;
	[tilespmem:$0x10200] =	vst v63  }
0x101: {  	_ = 	snop  }
0x102: {  	[tilespmem:s10], [sflag:$0x1] =	stream.indirect.gather [hbm4b:s22+s6], $0x80, s9, s6, $0xb8;
	[tilespmem:$0x10200] =	vst v63  }
0x103: {  	_ = 	snop  }
0x104: {  	[tilespmem:s12], [sflag:$0x1] =	stream.indirect.gather [hbm4b:s22+s6], $0x80, s11, s6, $0xb8;
	[tilespmem:$0x10200] =	vst v63  }
0x105: {  	_ =	swait.ge [sflag:s13], $0x4000  }
0x106: {  	[sflag:s13] =	ssyncset.done $0x0  }
0x107: {  	[sflag:s13] =	ssyncadd.s32 $0xFFFFC000  }
0x108: {  	_ =	swait.ge [sflag:s13], $0x4000  }
0x109: {  	[sflag:s13] =	ssyncset.done $0x0  }
0x10a: {  	[sflag:s13] =	ssyncadd.s32 $0xFFFFC000  }
0x10b: {  	_ =	swait.ge [sflag:s13], $0x4000  }
0x10c: {  	[sflag:s13] =	ssyncset.done $0x0  }
0x10d: {  	[sflag:s13] =	ssyncadd.s32 $0xFFFFC000  }
0x10e: {  	_ =	swait.ge [sflag:s13], $0x4000  }
.Ltmp1:
0x10f: {  	[sflag:s13] =	ssyncset.done $0x0;
	(pc) =	sbr.rel @p0 .LBB2_1-.Ltmp1, $4  }
0x110: {  	[sflag:s13] =	ssyncadd.s32 $0xFFFFC000  }
0x111: {  	[hbm4b:s23+s2] =	stream.linear.scatter [tilespmem:s7], [sflag:$0x2], $0x10000, $0x38;
	[tilespmem:$0x10200] =	vst v63  }
0x112: {  	_ =	swait.ge [sflag:s3], $0x10000  }
0x113: {  	[sflag:s3] =	ssyncset.done $0x0  }
.LBB2_2:
0x114: {  	[sflag:s3] =	ssyncadd.s32 $0xFFFF0000  }
0x115: {  	_ =	sfence.sel $0x180000  }
0x116: {  	[bflag:$0x0] =	sbarrier.arrive $0xFFFF  }
0x117: {  	p0 =	sne.s32 s0, $0x0;
	_ =	strace $0x90000047  }
0x118: {  	s0 =	sadd.s32 @!p0 $0x100000, s1;
	[bflag:$0x2] =	sbarrier.arrive $0xFFFF  }
0x119: {  	[sflag:s0] =	ssyncadd.tile.s32 @!p0 $0x1;
	_ =	shalt  }
.Lfunc_end2:
_tile_overlayer_lowered:
.L_overlay_start_2:
0x11a: {  	(tag) =	ssettag $0x2  }
0x11b: {  	s0 =	rddreg [dreg:$0x0];
	s2 =	stileid.u32  }
0x11c: {  	s1 =	rddreg [dreg:$0x1];
	p0 =	sne.s32 s2, $0x0  }
0x11d: {  	s3 =	rddreg [dreg:$0x2];
	[bflag:$0x3] =	sbarrier.arrive $0xFFFF;
	s2 =	simm.s32 @!p0 $0x1C02  }
0x11e: {  	[timem:s3], [sflag:s2] =	dma.local @!p0 [hbm:s0], s1  }
0x11f: {  	s0 =	simm.s32 @!p0 $0x2  }
0x120: {  	_ =	swait.ge @!p0 [sflag:s0], s1  }
0x121: {  	s1 =	ssub.s32 @!p0 $0x0, s1;
	[sflag:s0] =	ssyncset.done @!p0 $0x0  }
0x122: {  	[sflag:s0] =	ssyncadd.s32 @!p0 s1  }
0x123: {  	[bflag:$0x3] =	sbarrier.arrive $0xFFFF  }
0x124: {  	_ =	shalt  }

</sc_bundles>
